<compile_context>
chip_gen: v7x
topology: tpu7x:2x2x1
jax: 0.10.2.dev20260603
libtpu: 0.0.44.dev20260713+nightly
codegen_flags: <defaults>
</compile_context>

<pallas_src>
import functools

import jax
import jax.numpy as jnp
from jax import lax
from jax.experimental import pallas as pl
from jax.experimental.pallas import tpu as pltpu
from jax.experimental.pallas import tpu_sc as plsc

N = 10000
E = 320000
IN_FEATS = 128
HID = 16
NUM_CLASSES = 40
CPAD = 48

NTILES = 32
CH = 128
NP = 10112
SLC = NP // 16
NCH = 80
EPT = NCH * CH
EP = EPT * NTILES
NBUF = 4


def _mesh():
    return plsc.VectorSubcoreMesh(core_axis_name="c", subcore_axis_name="s")


def _sc_degree(dst2d, zeros1, ones1):

    @functools.partial(
        pl.kernel,
        out_type=jax.ShapeDtypeStruct((2 * NP,), jnp.float32),
        mesh=_mesh(),
        scratch_types=[
            pltpu.VMEM((NCH, CH), jnp.int32),
            pltpu.VMEM((CH,), jnp.float32),
            pltpu.VMEM((SLC,), jnp.float32),
            pltpu.VMEM_SHARED((NP,), jnp.float32),
            pltpu.SemaphoreType.DMA,
        ],
        compiler_params=pltpu.CompilerParams(use_tc_tiling_on_sc=False),
    )
    def k(dst_hbm, z_hbm, ones_hbm, out_hbm, didx, ones_v, slab, accum, sem):
        c = lax.axis_index("c")
        s = lax.axis_index("s")
        wid = c * 16 + s
        pltpu.sync_copy(ones_hbm, ones_v)
        pltpu.sync_copy(dst_hbm.at[pl.ds(wid * NCH, NCH)], didx)
        pltpu.sync_copy(z_hbm.at[pl.ds(s * SLC, SLC)], slab)
        pltpu.sync_copy(slab, accum.at[pl.ds(s * SLC, SLC)])
        plsc.subcore_barrier()

        def body(g, carry):
            descs = [
                pltpu.async_copy(ones_v, accum.at[didx.at[g * 8 + j]], sem, add=True)
                for j in range(8)
            ]
            for d in descs:
                d.wait()
            return carry

        lax.fori_loop(0, NCH // 8, body, 0)
        plsc.subcore_barrier()
        pltpu.sync_copy(accum.at[pl.ds(s * SLC, SLC)], slab)
        pltpu.sync_copy(slab, out_hbm.at[pl.ds(c * NP + s * SLC, SLC)])

    return k(dst2d, zeros1, ones1).reshape(2, NP)


def _sc_agg(srcp, dst2d, y, zeros2, d):

    @functools.partial(
        pl.kernel,
        out_type=jax.ShapeDtypeStruct((2, NP, d), jnp.float32),
        mesh=_mesh(),
        scratch_types=[
            pltpu.VMEM((EPT,), jnp.int32),
            pltpu.VMEM((NCH, CH), jnp.int32),
            [pltpu.VMEM((CH, d), jnp.float32) for _ in range(NBUF)],
            pltpu.VMEM((SLC, d), jnp.float32),
            pltpu.VMEM_SHARED((NP, d), jnp.float32),
            [pltpu.SemaphoreType.DMA for _ in range(NBUF)],
        ],
        compiler_params=pltpu.CompilerParams(use_tc_tiling_on_sc=False),
    )
    def k(src_hbm, dst_hbm, y_hbm, z_hbm, out_hbm, sidx, didx, rows, slab, accum, gsem):
        c = lax.axis_index("c")
        s = lax.axis_index("s")
        wid = c * 16 + s
        pltpu.sync_copy(src_hbm.at[pl.ds(wid * EPT, EPT)], sidx)
        pltpu.sync_copy(dst_hbm.at[pl.ds(wid * NCH, NCH)], didx)
        pltpu.sync_copy(z_hbm.at[pl.ds(s * SLC, SLC)], slab)
        pltpu.sync_copy(slab, accum.at[pl.ds(s * SLC, SLC)])
        plsc.subcore_barrier()

        def gather(ch, j):
            return pltpu.async_copy(
                y_hbm.at[sidx.at[pl.ds(ch * CH, CH)]], rows[j], gsem[j]
            )

        def scatter(ch, j):
            pltpu.sync_copy(rows[j], accum.at[didx.at[ch]], add=True)

        def gsem_wait(j):
            pltpu.make_async_copy(
                y_hbm.at[sidx.at[pl.ds(0, CH)]], rows[j], gsem[j]
            ).wait()

        for j in range(NBUF):
            gather(j, j)

        def body(g, carry):
            c0 = g * NBUF
            for j in range(NBUF):
                gsem_wait(j)
                scatter(c0 + j, j)
                gather(c0 + NBUF + j, j)
            return carry

        lax.fori_loop(0, NCH // NBUF - 1, body, 0)
        for j in range(NBUF):
            gsem_wait(j)
            scatter(NCH - NBUF + j, j)
        plsc.subcore_barrier()
        pltpu.sync_copy(accum.at[pl.ds(s * SLC, SLC)], slab)
        pltpu.sync_copy(slab, out_hbm.at[c, pl.ds(s * SLC, SLC)])

    return k(srcp, dst2d, y, zeros2)


def _dinv(dp_ref):
    deg = dp_ref[0:1, :] + dp_ref[1:2, :] + 1.0
    return lax.rsqrt(deg)


def _tc1_body(x_ref, w_ref, dp_ref, y_ref):
    dinv = _dinv(dp_ref)
    xw = jnp.dot(x_ref[...], w_ref[...], preferred_element_type=jnp.float32)
    row = lax.broadcasted_iota(jnp.int32, (NP, HID), 0)
    y_ref[...] = jnp.where(row < N, xw * dinv.reshape(NP, 1), 0.0)


def _tc2_body(s1_ref, y1_ref, b1_ref, dp_ref, w2_ref, y2_ref):
    dinv = _dinv(dp_ref).reshape(NP, 1)
    t = s1_ref[0] + s1_ref[1] + y1_ref[...]
    h = jnp.maximum(t * dinv + b1_ref[...], 0.0)
    y2 = jnp.dot(h, w2_ref[...], preferred_element_type=jnp.float32) * dinv
    row = lax.broadcasted_iota(jnp.int32, (NP, CPAD), 0)
    y2_ref[...] = jnp.where(row < N, y2, 0.0)


def _tc3_body(s2_ref, y2_ref, b2_ref, dp_ref, o_ref):
    dinv = _dinv(dp_ref).reshape(NP, 1)
    logits = (s2_ref[0] + s2_ref[1] + y2_ref[...]) * dinv + b2_ref[...]
    col = lax.broadcasted_iota(jnp.int32, (NP, CPAD), 1)
    valid = col < NUM_CLASSES
    lm = jnp.where(valid, logits, -1e30)
    mx = jnp.max(lm, axis=1, keepdims=True)
    se = jnp.sum(jnp.where(valid, jnp.exp(logits - mx), 0.0), axis=1, keepdims=True)
    o_ref[...] = logits - mx - jnp.log(se)


def kernel(graph, data, W1, b1, W2, b2):
    f32 = jnp.float32
    src = graph[0]
    dst = graph[1]
    pad = EP - E
    srcp = jnp.concatenate([src, jnp.full((pad,), N, jnp.int32)])
    dstp = jnp.concatenate([dst, jnp.full((pad,), N, jnp.int32)])
    dst2d = dstp.reshape(NTILES * NCH, CH)
    datap = jnp.pad(data.astype(f32), ((0, NP - N), (0, 0)))
    w2p = jnp.pad(W2.astype(f32), ((0, 0), (0, CPAD - NUM_CLASSES)))
    b1r = b1.astype(f32).reshape(1, HID)
    b2r = jnp.pad(b2.astype(f32), (0, CPAD - NUM_CLASSES)).reshape(1, CPAD)

    zeros1 = jnp.zeros((NP,), f32)
    ones1 = jnp.ones((CH,), f32)
    zeros_h = jnp.zeros((NP, HID), f32)
    zeros_c = jnp.zeros((NP, CPAD), f32)

    dp = _sc_degree(dst2d, zeros1, ones1)

    y1 = pl.pallas_call(
        _tc1_body,
        out_shape=jax.ShapeDtypeStruct((NP, HID), f32),
    )(datap, W1.astype(f32), dp)

    s1 = _sc_agg(srcp, dst2d, y1, zeros_h, HID)

    y2 = pl.pallas_call(
        _tc2_body,
        out_shape=jax.ShapeDtypeStruct((NP, CPAD), f32),
    )(s1, y1, b1r, dp, w2p)

    s2 = _sc_agg(srcp, dst2d, y2, zeros_c, CPAD)

    out = pl.pallas_call(
        _tc3_body,
        out_shape=jax.ShapeDtypeStruct((NP, CPAD), f32),
    )(s2, y2, b2r, dp)

    return out[:N, :NUM_CLASSES]

# --- scband reference (transcript-rebuilt; emitter-appended) ---
"""Pipeline reference for scband-net-41506563949058 (READ-ONLY COPY).

The authoritative reference and input builder live on the scoring server;
editing this copy changes nothing except your own understanding.
"""

import jax, jax.numpy as jnp
import numpy as np

N = 10000
E = 320000
IN_FEATS = 128
HID = 16
NUM_CLASSES = 40


def setup_inputs(seed: int = 0) -> dict:
    key = jax.random.key(seed)
    k1, k2, k3, k4 = jax.random.split(key, 4)
    graph = jax.random.randint(k1, (2, E), 0, N, dtype=jnp.int32)
    data = jax.random.normal(k2, (N, IN_FEATS), dtype=jnp.float32)
    W1 = jax.random.normal(k3, (IN_FEATS, HID), dtype=jnp.float32) * (1.0 / np.sqrt(IN_FEATS))
    b1 = jnp.zeros((HID,), dtype=jnp.float32)
    W2 = jax.random.normal(k4, (HID, NUM_CLASSES), dtype=jnp.float32) * (1.0 / np.sqrt(HID))
    b2 = jnp.zeros((NUM_CLASSES,), dtype=jnp.float32)
    return {"graph": graph, "data": data, "W1": W1, "b1": b1, "W2": W2, "b2": b2}


def gcn_conv(x, edge_index, W, b):
    # GCN layer: x' = D^{-1/2} (A + I) D^{-1/2} X W + b
    n = x.shape[0]
    loop = jnp.arange(n, dtype=edge_index.dtype)
    src = jnp.concatenate([edge_index[0], loop])
    dst = jnp.concatenate([edge_index[1], loop])
    deg = jnp.zeros((n,), dtype=x.dtype).at[dst].add(1.0)
    dinv = jnp.where(deg > 0, 1.0 / jnp.sqrt(deg), 0.0)
    norm = dinv[src] * dinv[dst]
    xw = x @ W
    msg = jnp.take(xw, src, axis=0) * norm[:, None]
    out = jnp.zeros((n, W.shape[1]), dtype=x.dtype).at[dst].add(msg)
    return out + b


def reference(graph, data, W1, b1, W2, b2):
    h = gcn_conv(data, graph, W1, b1)
    h = jax.nn.relu(h)
    # F.dropout with training=False is identity (reference runs in eval mode)
    h = gcn_conv(h, graph, W2, b2)
    return jax.nn.log_softmax(h, axis=1)

if __name__ == "__main__":
    import jax
    _d = setup_inputs()
    print(jax.jit(kernel)(*tuple(_d.values())))

</pallas_src>

<mosaic_0001>
#map = affine_map<(d0, d1) -> (0)>
#map1 = affine_map<(d0, d1) -> (0, 0)>
#map2 = affine_map<(d0, d1) -> (0, 0, 0)>
module attributes {stable_mosaic.version = 14 : i64} {
  func.func @k(%arg0: i32, %arg1: i32, %arg2: memref<327680xi32, #tpu.memory_space<hbm>>, %arg3: memref<2560x128xi32, #tpu.memory_space<hbm>>, %arg4: memref<10112x48xf32, #tpu.memory_space<hbm>>, %arg5: memref<10112x48xf32, #tpu.memory_space<hbm>>, %arg6: memref<2x10112x48xf32, #tpu.memory_space<hbm>>, %arg7: memref<10240xi32, #tpu.memory_space<vmem>>, %arg8: memref<80x128xi32, #tpu.memory_space<vmem>>, %arg9: memref<128x48xf32, #tpu.memory_space<vmem>>, %arg10: memref<128x48xf32, #tpu.memory_space<vmem>>, %arg11: memref<128x48xf32, #tpu.memory_space<vmem>>, %arg12: memref<128x48xf32, #tpu.memory_space<vmem>>, %arg13: memref<632x48xf32, #tpu.memory_space<vmem>>, %arg14: memref<10112x48xf32, #tpu.memory_space<vmem_shared>>, %arg15: memref<!tpu.dma_semaphore, #tpu.memory_space<semaphore_mem>>, %arg16: memref<!tpu.dma_semaphore, #tpu.memory_space<semaphore_mem>>, %arg17: memref<!tpu.dma_semaphore, #tpu.memory_space<semaphore_mem>>, %arg18: memref<!tpu.dma_semaphore, #tpu.memory_space<semaphore_mem>>) attributes {dimension_semantics = [#tpu.dimension_semantics<core_parallel>, #tpu.dimension_semantics<subcore_parallel>], iteration_bounds = array<i64: 2, 16>, scalar_prefetch = 0 : i64, scratch_operands = 12 : i64, tpu.core_type = #tpu.core_type<sc_vector_subcore>, window_params = [{transform_indices = #map}, {transform_indices = #map1}, {transform_indices = #map1}, {transform_indices = #map1}, {transform_indices = #map2}]} {
    %mul3A = arith.constant 16 : i32
    %mul3A_0 = arith.muli %arg0, %mul3A : i32
    %add3A = arith.addi %mul3A_0, %arg1 : i32
    %mul3A_1 = arith.constant 10240 : i32
    %mul3A_2 = arith.muli %add3A, %mul3A_1 : i32
    "tpu.region"() ({
      %run_scoped3A_60 = tpu.sem_alloc : memref<!tpu.dma_semaphore, #tpu.memory_space<semaphore_mem>>
      %dma_start3A_61 = tpu.memref_slice %arg2[%mul3A_2] : memref<327680xi32, #tpu.memory_space<hbm>> -> memref<10240xi32, #tpu.memory_space<hbm>>
      %dma_start3A_62 = tpu.memref_slice %arg2[%mul3A_2] : memref<327680xi32, #tpu.memory_space<hbm>> -> memref<10240xi32, #tpu.memory_space<hbm>>
      tpu.enqueue_dma source(%dma_start3A_62 : memref<10240xi32, #tpu.memory_space<hbm>>) target(%arg7 : memref<10240xi32, #tpu.memory_space<vmem>>) target_semaphore(%run_scoped3A_60 : memref<!tpu.dma_semaphore, #tpu.memory_space<semaphore_mem>>)
      %dma_wait3A_63 = tpu.memref_slice %arg2[%mul3A_2] : memref<327680xi32, #tpu.memory_space<hbm>> -> memref<10240xi32, #tpu.memory_space<hbm>>
      %dma_wait3A_64 = tpu.memref_slice %arg2[%mul3A_2] : memref<327680xi32, #tpu.memory_space<hbm>> -> memref<10240xi32, #tpu.memory_space<hbm>>
      tpu.wait_dma2 semaphore(%run_scoped3A_60 : memref<!tpu.dma_semaphore, #tpu.memory_space<semaphore_mem>>) src(%dma_wait3A_64 : memref<10240xi32, #tpu.memory_space<hbm>>) dst(%arg7 : memref<10240xi32, #tpu.memory_space<vmem>>)
      tpu.yield
    }) : () -> ()
    %mul3A_3 = arith.constant 80 : i32
    %mul3A_4 = arith.muli %add3A, %mul3A_3 : i32
    "tpu.region"() ({
      %run_scoped3A_60 = tpu.sem_alloc : memref<!tpu.dma_semaphore, #tpu.memory_space<semaphore_mem>>
      %dma_start3A_61 = arith.constant 0 : i32
      %dma_start3A_62 = tpu.memref_slice %arg3[%mul3A_4, %dma_start3A_61] : memref<2560x128xi32, #tpu.memory_space<hbm>> -> memref<80x128xi32, #tpu.memory_space<hbm>>
      %dma_start3A_63 = arith.constant 0 : i32
      %dma_start3A_64 = tpu.memref_slice %arg3[%mul3A_4, %dma_start3A_63] : memref<2560x128xi32, #tpu.memory_space<hbm>> -> memref<80x128xi32, #tpu.memory_space<hbm>>
      tpu.enqueue_dma source(%dma_start3A_64 : memref<80x128xi32, #tpu.memory_space<hbm>>) target(%arg8 : memref<80x128xi32, #tpu.memory_space<vmem>>) target_semaphore(%run_scoped3A_60 : memref<!tpu.dma_semaphore, #tpu.memory_space<semaphore_mem>>)
      %dma_wait3A_65 = arith.constant 0 : i32
      %dma_wait3A_66 = tpu.memref_slice %arg3[%mul3A_4, %dma_wait3A_65] : memref<2560x128xi32, #tpu.memory_space<hbm>> -> memref<80x128xi32, #tpu.memory_space<hbm>>
      %dma_wait3A_67 = arith.constant 0 : i32
      %dma_wait3A_68 = tpu.memref_slice %arg3[%mul3A_4, %dma_wait3A_67] : memref<2560x128xi32, #tpu.memory_space<hbm>> -> memref<80x128xi32, #tpu.memory_space<hbm>>
      tpu.wait_dma2 semaphore(%run_scoped3A_60 : memref<!tpu.dma_semaphore, #tpu.memory_space<semaphore_mem>>) src(%dma_wait3A_68 : memref<80x128xi32, #tpu.memory_space<hbm>>) dst(%arg8 : memref<80x128xi32, #tpu.memory_space<vmem>>)
      tpu.yield
    }) : () -> ()
    %mul3A_5 = arith.constant 632 : i32
    %mul3A_6 = arith.muli %arg1, %mul3A_5 : i32
    "tpu.region"() ({
      %run_scoped3A_60 = tpu.sem_alloc : memref<!tpu.dma_semaphore, #tpu.memory_space<semaphore_mem>>
      %dma_start3A_61 = arith.constant 0 : i32
      %dma_start3A_62 = tpu.memref_slice %arg5[%mul3A_6, %dma_start3A_61] : memref<10112x48xf32, #tpu.memory_space<hbm>> -> memref<632x48xf32, #tpu.memory_space<hbm>>
      %dma_start3A_63 = arith.constant 0 : i32
      %dma_start3A_64 = tpu.memref_slice %arg5[%mul3A_6, %dma_start3A_63] : memref<10112x48xf32, #tpu.memory_space<hbm>> -> memref<632x48xf32, #tpu.memory_space<hbm>>
      tpu.enqueue_dma source(%dma_start3A_64 : memref<632x48xf32, #tpu.memory_space<hbm>>) target(%arg13 : memref<632x48xf32, #tpu.memory_space<vmem>>) target_semaphore(%run_scoped3A_60 : memref<!tpu.dma_semaphore, #tpu.memory_space<semaphore_mem>>)
      %dma_wait3A_65 = arith.constant 0 : i32
      %dma_wait3A_66 = tpu.memref_slice %arg5[%mul3A_6, %dma_wait3A_65] : memref<10112x48xf32, #tpu.memory_space<hbm>> -> memref<632x48xf32, #tpu.memory_space<hbm>>
      %dma_wait3A_67 = arith.constant 0 : i32
      %dma_wait3A_68 = tpu.memref_slice %arg5[%mul3A_6, %dma_wait3A_67] : memref<10112x48xf32, #tpu.memory_space<hbm>> -> memref<632x48xf32, #tpu.memory_space<hbm>>
      tpu.wait_dma2 semaphore(%run_scoped3A_60 : memref<!tpu.dma_semaphore, #tpu.memory_space<semaphore_mem>>) src(%dma_wait3A_68 : memref<632x48xf32, #tpu.memory_space<hbm>>) dst(%arg13 : memref<632x48xf32, #tpu.memory_space<vmem>>)
      tpu.yield
    }) : () -> ()
    %mul3A_7 = arith.constant 632 : i32
    %mul3A_8 = arith.muli %arg1, %mul3A_7 : i32
    "tpu.region"() ({
      %run_scoped3A_60 = tpu.sem_alloc : memref<!tpu.dma_semaphore, #tpu.memory_space<semaphore_mem>>
      %dma_start3A_61 = arith.constant 0 : i32
      %dma_start3A_62 = tpu.memref_slice %arg14[%mul3A_8, %dma_start3A_61] : memref<10112x48xf32, #tpu.memory_space<vmem_shared>> -> memref<632x48xf32, #tpu.memory_space<vmem_shared>>
      %dma_start3A_63 = arith.constant 0 : i32
      %dma_start3A_64 = tpu.memref_slice %arg14[%mul3A_8, %dma_start3A_63] : memref<10112x48xf32, #tpu.memory_space<vmem_shared>> -> memref<632x48xf32, #tpu.memory_space<vmem_shared>>
      tpu.enqueue_dma source(%arg13 : memref<632x48xf32, #tpu.memory_space<vmem>>) target(%dma_start3A_64 : memref<632x48xf32, #tpu.memory_space<vmem_shared>>) target_semaphore(%run_scoped3A_60 : memref<!tpu.dma_semaphore, #tpu.memory_space<semaphore_mem>>)
      %dma_wait3A_65 = arith.constant 0 : i32
      %dma_wait3A_66 = tpu.memref_slice %arg14[%mul3A_8, %dma_wait3A_65] : memref<10112x48xf32, #tpu.memory_space<vmem_shared>> -> memref<632x48xf32, #tpu.memory_space<vmem_shared>>
      %dma_wait3A_67 = arith.constant 0 : i32
      %dma_wait3A_68 = tpu.memref_slice %arg14[%mul3A_8, %dma_wait3A_67] : memref<10112x48xf32, #tpu.memory_space<vmem_shared>> -> memref<632x48xf32, #tpu.memory_space<vmem_shared>>
      tpu.wait_dma2 semaphore(%run_scoped3A_60 : memref<!tpu.dma_semaphore, #tpu.memory_space<semaphore_mem>>) src(%arg13 : memref<632x48xf32, #tpu.memory_space<vmem>>) dst(%dma_wait3A_68 : memref<632x48xf32, #tpu.memory_space<vmem_shared>>)
      tpu.yield
    }) : () -> ()
    %barrier3A = arith.constant 0 : index
    tpu.barrier barrier_id(%barrier3A)
    %dma_start3A = arith.constant 0 : i32
    %dma_start3A_9 = tpu.memref_slice %arg7[%dma_start3A] : memref<10240xi32, #tpu.memory_space<vmem>> -> memref<128xi32, #tpu.memory_space<vmem>>
    %dma_start3A_10 = arith.constant 0 : i32
    %dma_start3A_11 = arith.constant 0 : i32
    %dma_start3A_12 = tpu.memref_slice %arg4[%dma_start3A_10, %dma_start3A_11] : memref<10112x48xf32, #tpu.memory_space<hbm>> -> memref<10112x48xf32, #tpu.memory_space<hbm>>
    tpu.enqueue_indirect_dma source(%dma_start3A_12 : memref<10112x48xf32, #tpu.memory_space<hbm>>) target(%arg9 : memref<128x48xf32, #tpu.memory_space<vmem>>) offsets(%dma_start3A_9 : memref<128xi32, #tpu.memory_space<vmem>>) semaphore(%arg15 : memref<!tpu.dma_semaphore, #tpu.memory_space<semaphore_mem>>)
    %dma_start3A_13 = arith.constant 128 : i32
    %dma_start3A_14 = tpu.memref_slice %arg7[%dma_start3A_13] : memref<10240xi32, #tpu.memory_space<vmem>> -> memref<128xi32, #tpu.memory_space<vmem>>
    %dma_start3A_15 = arith.constant 0 : i32
    %dma_start3A_16 = arith.constant 0 : i32
    %dma_start3A_17 = tpu.memref_slice %arg4[%dma_start3A_15, %dma_start3A_16] : memref<10112x48xf32, #tpu.memory_space<hbm>> -> memref<10112x48xf32, #tpu.memory_space<hbm>>
    tpu.enqueue_indirect_dma source(%dma_start3A_17 : memref<10112x48xf32, #tpu.memory_space<hbm>>) target(%arg10 : memref<128x48xf32, #tpu.memory_space<vmem>>) offsets(%dma_start3A_14 : memref<128xi32, #tpu.memory_space<vmem>>) semaphore(%arg16 : memref<!tpu.dma_semaphore, #tpu.memory_space<semaphore_mem>>)
    %dma_start3A_18 = arith.constant 256 : i32
    %dma_start3A_19 = tpu.memref_slice %arg7[%dma_start3A_18] : memref<10240xi32, #tpu.memory_space<vmem>> -> memref<128xi32, #tpu.memory_space<vmem>>
    %dma_start3A_20 = arith.constant 0 : i32
    %dma_start3A_21 = arith.constant 0 : i32
    %dma_start3A_22 = tpu.memref_slice %arg4[%dma_start3A_20, %dma_start3A_21] : memref<10112x48xf32, #tpu.memory_space<hbm>> -> memref<10112x48xf32, #tpu.memory_space<hbm>>
    tpu.enqueue_indirect_dma source(%dma_start3A_22 : memref<10112x48xf32, #tpu.memory_space<hbm>>) target(%arg11 : memref<128x48xf32, #tpu.memory_space<vmem>>) offsets(%dma_start3A_19 : memref<128xi32, #tpu.memory_space<vmem>>) semaphore(%arg17 : memref<!tpu.dma_semaphore, #tpu.memory_space<semaphore_mem>>)
    %dma_start3A_23 = arith.constant 384 : i32
    %dma_start3A_24 = tpu.memref_slice %arg7[%dma_start3A_23] : memref<10240xi32, #tpu.memory_space<vmem>> -> memref<128xi32, #tpu.memory_space<vmem>>
    %dma_start3A_25 = arith.constant 0 : i32
    %dma_start3A_26 = arith.constant 0 : i32
    %dma_start3A_27 = tpu.memref_slice %arg4[%dma_start3A_25, %dma_start3A_26] : memref<10112x48xf32, #tpu.memory_space<hbm>> -> memref<10112x48xf32, #tpu.memory_space<hbm>>
    tpu.enqueue_indirect_dma source(%dma_start3A_27 : memref<10112x48xf32, #tpu.memory_space<hbm>>) target(%arg12 : memref<128x48xf32, #tpu.memory_space<vmem>>) offsets(%dma_start3A_24 : memref<128xi32, #tpu.memory_space<vmem>>) semaphore(%arg18 : memref<!tpu.dma_semaphore, #tpu.memory_space<semaphore_mem>>)
    %scan3A = arith.constant 0 : i32
    %scan3A_28 = arith.constant 0 : i32
    %scan3A_29 = arith.constant 19 : i32
    %scan3A_30 = arith.addi %scan3A_28, %scan3A_29 : i32
    %scan3A_31 = arith.constant 1 : i32
    scf.for %scan3A_60 = %scan3A_28 to %scan3A_30 step %scan3A_31  : i32 {
      %mul3A_61 = arith.constant 4 : i32
      %mul3A_62 = arith.muli %scan3A_60, %mul3A_61 : i32
      %dma_wait3A_63 = arith.constant 0 : i32
      %dma_wait3A_64 = tpu.memref_slice %arg7[%dma_wait3A_63] : memref<10240xi32, #tpu.memory_space<vmem>> -> memref<128xi32, #tpu.memory_space<vmem>>
      %dma_wait3A_65 = arith.constant 0 : i32
      %dma_wait3A_66 = arith.constant 0 : i32
      %dma_wait3A_67 = tpu.memref_slice %arg4[%dma_wait3A_65, %dma_wait3A_66] : memref<10112x48xf32, #tpu.memory_space<hbm>> -> memref<10112x48xf32, #tpu.memory_space<hbm>>
      tpu.wait_indirect_dma semaphore(%arg15 : memref<!tpu.dma_semaphore, #tpu.memory_space<semaphore_mem>>) src(%dma_wait3A_67 : memref<10112x48xf32, #tpu.memory_space<hbm>>) dst(%arg9 : memref<128x48xf32, #tpu.memory_space<vmem>>)
      %add3A_68 = arith.constant 0 : i32
      %add3A_69 = arith.addi %mul3A_62, %add3A_68 : i32
      "tpu.region"() ({
        %run_scoped3A_131 = tpu.sem_alloc : memref<!tpu.dma_semaphore, #tpu.memory_space<semaphore_mem>>
        %dma_start3A_132 = arith.constant 0 : i32
        %dma_start3A_133 = tpu.memref_slice %arg8[%add3A_69, %dma_start3A_132] : memref<80x128xi32, #tpu.memory_space<vmem>> -> memref<1x128xi32, #tpu.memory_space<vmem>>
        %dma_start3A_134 = tpu.memref_squeeze %dma_start3A_133 : memref<1x128xi32, #tpu.memory_space<vmem>> -> memref<128xi32, #tpu.memory_space<vmem>>
        %dma_start3A_135 = arith.constant 0 : i32
        %dma_start3A_136 = arith.constant 0 : i32
        %dma_start3A_137 = tpu.memref_slice %arg14[%dma_start3A_135, %dma_start3A_136] : memref<10112x48xf32, #tpu.memory_space<vmem_shared>> -> memref<10112x48xf32, #tpu.memory_space<vmem_shared>>
        tpu.enqueue_indirect_dma source(%arg9 : memref<128x48xf32, #tpu.memory_space<vmem>>) target(%dma_start3A_137 : memref<10112x48xf32, #tpu.memory_space<vmem_shared>>) offsets(%dma_start3A_134 : memref<128xi32, #tpu.memory_space<vmem>>) semaphore(%run_scoped3A_131 : memref<!tpu.dma_semaphore, #tpu.memory_space<semaphore_mem>>) {add = true}
        %dma_wait3A_138 = arith.constant 0 : i32
        %dma_wait3A_139 = tpu.memref_slice %arg8[%add3A_69, %dma_wait3A_138] : memref<80x128xi32, #tpu.memory_space<vmem>> -> memref<1x128xi32, #tpu.memory_space<vmem>>
        %dma_wait3A_140 = tpu.memref_squeeze %dma_wait3A_139 : memref<1x128xi32, #tpu.memory_space<vmem>> -> memref<128xi32, #tpu.memory_space<vmem>>
        %dma_wait3A_141 = arith.constant 0 : i32
        %dma_wait3A_142 = arith.constant 0 : i32
        %dma_wait3A_143 = tpu.memref_slice %arg14[%dma_wait3A_141, %dma_wait3A_142] : memref<10112x48xf32, #tpu.memory_space<vmem_shared>> -> memref<10112x48xf32, #tpu.memory_space<vmem_shared>>
        tpu.wait_indirect_dma semaphore(%run_scoped3A_131 : memref<!tpu.dma_semaphore, #tpu.memory_space<semaphore_mem>>) src(%arg9 : memref<128x48xf32, #tpu.memory_space<vmem>>) dst(%dma_wait3A_143 : memref<10112x48xf32, #tpu.memory_space<vmem_shared>>)
        tpu.yield
      }) : () -> ()
      %add3A_70 = arith.constant 4 : i32
      %add3A_71 = arith.addi %mul3A_62, %add3A_70 : i32
      %add3A_72 = arith.constant 0 : i32
      %add3A_73 = arith.addi %add3A_71, %add3A_72 : i32
      %mul3A_74 = arith.constant 128 : i32
      %mul3A_75 = arith.muli %add3A_73, %mul3A_74 : i32
      %dma_start3A_76 = tpu.memref_slice %arg7[%mul3A_75] : memref<10240xi32, #tpu.memory_space<vmem>> -> memref<128xi32, #tpu.memory_space<vmem>>
      %dma_start3A_77 = arith.constant 0 : i32
      %dma_start3A_78 = arith.constant 0 : i32
      %dma_start3A_79 = tpu.memref_slice %arg4[%dma_start3A_77, %dma_start3A_78] : memref<10112x48xf32, #tpu.memory_space<hbm>> -> memref<10112x48xf32, #tpu.memory_space<hbm>>
      tpu.enqueue_indirect_dma source(%dma_start3A_79 : memref<10112x48xf32, #tpu.memory_space<hbm>>) target(%arg9 : memref<128x48xf32, #tpu.memory_space<vmem>>) offsets(%dma_start3A_76 : memref<128xi32, #tpu.memory_space<vmem>>) semaphore(%arg15 : memref<!tpu.dma_semaphore, #tpu.memory_space<semaphore_mem>>)
      %dma_wait3A_80 = arith.constant 0 : i32
      %dma_wait3A_81 = tpu.memref_slice %arg7[%dma_wait3A_80] : memref<10240xi32, #tpu.memory_space<vmem>> -> memref<128xi32, #tpu.memory_space<vmem>>
      %dma_wait3A_82 = arith.constant 0 : i32
      %dma_wait3A_83 = arith.constant 0 : i32
      %dma_wait3A_84 = tpu.memref_slice %arg4[%dma_wait3A_82, %dma_wait3A_83] : memref<10112x48xf32, #tpu.memory_space<hbm>> -> memref<10112x48xf32, #tpu.memory_space<hbm>>
      tpu.wait_indirect_dma semaphore(%arg16 : memref<!tpu.dma_semaphore, #tpu.memory_space<semaphore_mem>>) src(%dma_wait3A_84 : memref<10112x48xf32, #tpu.memory_space<hbm>>) dst(%arg10 : memref<128x48xf32, #tpu.memory_space<vmem>>)
      %add3A_85 = arith.constant 1 : i32
      %add3A_86 = arith.addi %mul3A_62, %add3A_85 : i32
      "tpu.region"() ({
        %run_scoped3A_131 = tpu.sem_alloc : memref<!tpu.dma_semaphore, #tpu.memory_space<semaphore_mem>>
        %dma_start3A_132 = arith.constant 0 : i32
        %dma_start3A_133 = tpu.memref_slice %arg8[%add3A_86, %dma_start3A_132] : memref<80x128xi32, #tpu.memory_space<vmem>> -> memref<1x128xi32, #tpu.memory_space<vmem>>
        %dma_start3A_134 = tpu.memref_squeeze %dma_start3A_133 : memref<1x128xi32, #tpu.memory_space<vmem>> -> memref<128xi32, #tpu.memory_space<vmem>>
        %dma_start3A_135 = arith.constant 0 : i32
        %dma_start3A_136 = arith.constant 0 : i32
        %dma_start3A_137 = tpu.memref_slice %arg14[%dma_start3A_135, %dma_start3A_136] : memref<10112x48xf32, #tpu.memory_space<vmem_shared>> -> memref<10112x48xf32, #tpu.memory_space<vmem_shared>>
        tpu.enqueue_indirect_dma source(%arg10 : memref<128x48xf32, #tpu.memory_space<vmem>>) target(%dma_start3A_137 : memref<10112x48xf32, #tpu.memory_space<vmem_shared>>) offsets(%dma_start3A_134 : memref<128xi32, #tpu.memory_space<vmem>>) semaphore(%run_scoped3A_131 : memref<!tpu.dma_semaphore, #tpu.memory_space<semaphore_mem>>) {add = true}
        %dma_wait3A_138 = arith.constant 0 : i32
        %dma_wait3A_139 = tpu.memref_slice %arg8[%add3A_86, %dma_wait3A_138] : memref<80x128xi32, #tpu.memory_space<vmem>> -> memref<1x128xi32, #tpu.memory_space<vmem>>
        %dma_wait3A_140 = tpu.memref_squeeze %dma_wait3A_139 : memref<1x128xi32, #tpu.memory_space<vmem>> -> memref<128xi32, #tpu.memory_space<vmem>>
        %dma_wait3A_141 = arith.constant 0 : i32
        %dma_wait3A_142 = arith.constant 0 : i32
        %dma_wait3A_143 = tpu.memref_slice %arg14[%dma_wait3A_141, %dma_wait3A_142] : memref<10112x48xf32, #tpu.memory_space<vmem_shared>> -> memref<10112x48xf32, #tpu.memory_space<vmem_shared>>
        tpu.wait_indirect_dma semaphore(%run_scoped3A_131 : memref<!tpu.dma_semaphore, #tpu.memory_space<semaphore_mem>>) src(%arg10 : memref<128x48xf32, #tpu.memory_space<vmem>>) dst(%dma_wait3A_143 : memref<10112x48xf32, #tpu.memory_space<vmem_shared>>)
        tpu.yield
      }) : () -> ()
      %add3A_87 = arith.constant 4 : i32
      %add3A_88 = arith.addi %mul3A_62, %add3A_87 : i32
      %add3A_89 = arith.constant 1 : i32
      %add3A_90 = arith.addi %add3A_88, %add3A_89 : i32
      %mul3A_91 = arith.constant 128 : i32
      %mul3A_92 = arith.muli %add3A_90, %mul3A_91 : i32
      %dma_start3A_93 = tpu.memref_slice %arg7[%mul3A_92] : memref<10240xi32, #tpu.memory_space<vmem>> -> memref<128xi32, #tpu.memory_space<vmem>>
      %dma_start3A_94 = arith.constant 0 : i32
      %dma_start3A_95 = arith.constant 0 : i32
      %dma_start3A_96 = tpu.memref_slice %arg4[%dma_start3A_94, %dma_start3A_95] : memref<10112x48xf32, #tpu.memory_space<hbm>> -> memref<10112x48xf32, #tpu.memory_space<hbm>>
      tpu.enqueue_indirect_dma source(%dma_start3A_96 : memref<10112x48xf32, #tpu.memory_space<hbm>>) target(%arg10 : memref<128x48xf32, #tpu.memory_space<vmem>>) offsets(%dma_start3A_93 : memref<128xi32, #tpu.memory_space<vmem>>) semaphore(%arg16 : memref<!tpu.dma_semaphore, #tpu.memory_space<semaphore_mem>>)
      %dma_wait3A_97 = arith.constant 0 : i32
      %dma_wait3A_98 = tpu.memref_slice %arg7[%dma_wait3A_97] : memref<10240xi32, #tpu.memory_space<vmem>> -> memref<128xi32, #tpu.memory_space<vmem>>
      %dma_wait3A_99 = arith.constant 0 : i32
      %dma_wait3A_100 = arith.constant 0 : i32
      %dma_wait3A_101 = tpu.memref_slice %arg4[%dma_wait3A_99, %dma_wait3A_100] : memref<10112x48xf32, #tpu.memory_space<hbm>> -> memref<10112x48xf32, #tpu.memory_space<hbm>>
      tpu.wait_indirect_dma semaphore(%arg17 : memref<!tpu.dma_semaphore, #tpu.memory_space<semaphore_mem>>) src(%dma_wait3A_101 : memref<10112x48xf32, #tpu.memory_space<hbm>>) dst(%arg11 : memref<128x48xf32, #tpu.memory_space<vmem>>)
      %add3A_102 = arith.constant 2 : i32
      %add3A_103 = arith.addi %mul3A_62, %add3A_102 : i32
      "tpu.region"() ({
        %run_scoped3A_131 = tpu.sem_alloc : memref<!tpu.dma_semaphore, #tpu.memory_space<semaphore_mem>>
        %dma_start3A_132 = arith.constant 0 : i32
        %dma_start3A_133 = tpu.memref_slice %arg8[%add3A_103, %dma_start3A_132] : memref<80x128xi32, #tpu.memory_space<vmem>> -> memref<1x128xi32, #tpu.memory_space<vmem>>
        %dma_start3A_134 = tpu.memref_squeeze %dma_start3A_133 : memref<1x128xi32, #tpu.memory_space<vmem>> -> memref<128xi32, #tpu.memory_space<vmem>>
        %dma_start3A_135 = arith.constant 0 : i32
        %dma_start3A_136 = arith.constant 0 : i32
        %dma_start3A_137 = tpu.memref_slice %arg14[%dma_start3A_135, %dma_start3A_136] : memref<10112x48xf32, #tpu.memory_space<vmem_shared>> -> memref<10112x48xf32, #tpu.memory_space<vmem_shared>>
        tpu.enqueue_indirect_dma source(%arg11 : memref<128x48xf32, #tpu.memory_space<vmem>>) target(%dma_start3A_137 : memref<10112x48xf32, #tpu.memory_space<vmem_shared>>) offsets(%dma_start3A_134 : memref<128xi32, #tpu.memory_space<vmem>>) semaphore(%run_scoped3A_131 : memref<!tpu.dma_semaphore, #tpu.memory_space<semaphore_mem>>) {add = true}
        %dma_wait3A_138 = arith.constant 0 : i32
        %dma_wait3A_139 = tpu.memref_slice %arg8[%add3A_103, %dma_wait3A_138] : memref<80x128xi32, #tpu.memory_space<vmem>> -> memref<1x128xi32, #tpu.memory_space<vmem>>
        %dma_wait3A_140 = tpu.memref_squeeze %dma_wait3A_139 : memref<1x128xi32, #tpu.memory_space<vmem>> -> memref<128xi32, #tpu.memory_space<vmem>>
        %dma_wait3A_141 = arith.constant 0 : i32
        %dma_wait3A_142 = arith.constant 0 : i32
        %dma_wait3A_143 = tpu.memref_slice %arg14[%dma_wait3A_141, %dma_wait3A_142] : memref<10112x48xf32, #tpu.memory_space<vmem_shared>> -> memref<10112x48xf32, #tpu.memory_space<vmem_shared>>
        tpu.wait_indirect_dma semaphore(%run_scoped3A_131 : memref<!tpu.dma_semaphore, #tpu.memory_space<semaphore_mem>>) src(%arg11 : memref<128x48xf32, #tpu.memory_space<vmem>>) dst(%dma_wait3A_143 : memref<10112x48xf32, #tpu.memory_space<vmem_shared>>)
        tpu.yield
      }) : () -> ()
      %add3A_104 = arith.constant 4 : i32
      %add3A_105 = arith.addi %mul3A_62, %add3A_104 : i32
      %add3A_106 = arith.constant 2 : i32
      %add3A_107 = arith.addi %add3A_105, %add3A_106 : i32
      %mul3A_108 = arith.constant 128 : i32
      %mul3A_109 = arith.muli %add3A_107, %mul3A_108 : i32
      %dma_start3A_110 = tpu.memref_slice %arg7[%mul3A_109] : memref<10240xi32, #tpu.memory_space<vmem>> -> memref<128xi32, #tpu.memory_space<vmem>>
      %dma_start3A_111 = arith.constant 0 : i32
      %dma_start3A_112 = arith.constant 0 : i32
      %dma_start3A_113 = tpu.memref_slice %arg4[%dma_start3A_111, %dma_start3A_112] : memref<10112x48xf32, #tpu.memory_space<hbm>> -> memref<10112x48xf32, #tpu.memory_space<hbm>>
      tpu.enqueue_indirect_dma source(%dma_start3A_113 : memref<10112x48xf32, #tpu.memory_space<hbm>>) target(%arg11 : memref<128x48xf32, #tpu.memory_space<vmem>>) offsets(%dma_start3A_110 : memref<128xi32, #tpu.memory_space<vmem>>) semaphore(%arg17 : memref<!tpu.dma_semaphore, #tpu.memory_space<semaphore_mem>>)
      %dma_wait3A_114 = arith.constant 0 : i32
      %dma_wait3A_115 = tpu.memref_slice %arg7[%dma_wait3A_114] : memref<10240xi32, #tpu.memory_space<vmem>> -> memref<128xi32, #tpu.memory_space<vmem>>
      %dma_wait3A_116 = arith.constant 0 : i32
      %dma_wait3A_117 = arith.constant 0 : i32
      %dma_wait3A_118 = tpu.memref_slice %arg4[%dma_wait3A_116, %dma_wait3A_117] : memref<10112x48xf32, #tpu.memory_space<hbm>> -> memref<10112x48xf32, #tpu.memory_space<hbm>>
      tpu.wait_indirect_dma semaphore(%arg18 : memref<!tpu.dma_semaphore, #tpu.memory_space<semaphore_mem>>) src(%dma_wait3A_118 : memref<10112x48xf32, #tpu.memory_space<hbm>>) dst(%arg12 : memref<128x48xf32, #tpu.memory_space<vmem>>)
      %add3A_119 = arith.constant 3 : i32
      %add3A_120 = arith.addi %mul3A_62, %add3A_119 : i32
      "tpu.region"() ({
        %run_scoped3A_131 = tpu.sem_alloc : memref<!tpu.dma_semaphore, #tpu.memory_space<semaphore_mem>>
        %dma_start3A_132 = arith.constant 0 : i32
        %dma_start3A_133 = tpu.memref_slice %arg8[%add3A_120, %dma_start3A_132] : memref<80x128xi32, #tpu.memory_space<vmem>> -> memref<1x128xi32, #tpu.memory_space<vmem>>
        %dma_start3A_134 = tpu.memref_squeeze %dma_start3A_133 : memref<1x128xi32, #tpu.memory_space<vmem>> -> memref<128xi32, #tpu.memory_space<vmem>>
        %dma_start3A_135 = arith.constant 0 : i32
        %dma_start3A_136 = arith.constant 0 : i32
        %dma_start3A_137 = tpu.memref_slice %arg14[%dma_start3A_135, %dma_start3A_136] : memref<10112x48xf32, #tpu.memory_space<vmem_shared>> -> memref<10112x48xf32, #tpu.memory_space<vmem_shared>>
        tpu.enqueue_indirect_dma source(%arg12 : memref<128x48xf32, #tpu.memory_space<vmem>>) target(%dma_start3A_137 : memref<10112x48xf32, #tpu.memory_space<vmem_shared>>) offsets(%dma_start3A_134 : memref<128xi32, #tpu.memory_space<vmem>>) semaphore(%run_scoped3A_131 : memref<!tpu.dma_semaphore, #tpu.memory_space<semaphore_mem>>) {add = true}
        %dma_wait3A_138 = arith.constant 0 : i32
        %dma_wait3A_139 = tpu.memref_slice %arg8[%add3A_120, %dma_wait3A_138] : memref<80x128xi32, #tpu.memory_space<vmem>> -> memref<1x128xi32, #tpu.memory_space<vmem>>
        %dma_wait3A_140 = tpu.memref_squeeze %dma_wait3A_139 : memref<1x128xi32, #tpu.memory_space<vmem>> -> memref<128xi32, #tpu.memory_space<vmem>>
        %dma_wait3A_141 = arith.constant 0 : i32
        %dma_wait3A_142 = arith.constant 0 : i32
        %dma_wait3A_143 = tpu.memref_slice %arg14[%dma_wait3A_141, %dma_wait3A_142] : memref<10112x48xf32, #tpu.memory_space<vmem_shared>> -> memref<10112x48xf32, #tpu.memory_space<vmem_shared>>
        tpu.wait_indirect_dma semaphore(%run_scoped3A_131 : memref<!tpu.dma_semaphore, #tpu.memory_space<semaphore_mem>>) src(%arg12 : memref<128x48xf32, #tpu.memory_space<vmem>>) dst(%dma_wait3A_143 : memref<10112x48xf32, #tpu.memory_space<vmem_shared>>)
        tpu.yield
      }) : () -> ()
      %add3A_121 = arith.constant 4 : i32
      %add3A_122 = arith.addi %mul3A_62, %add3A_121 : i32
      %add3A_123 = arith.constant 3 : i32
      %add3A_124 = arith.addi %add3A_122, %add3A_123 : i32
      %mul3A_125 = arith.constant 128 : i32
      %mul3A_126 = arith.muli %add3A_124, %mul3A_125 : i32
      %dma_start3A_127 = tpu.memref_slice %arg7[%mul3A_126] : memref<10240xi32, #tpu.memory_space<vmem>> -> memref<128xi32, #tpu.memory_space<vmem>>
      %dma_start3A_128 = arith.constant 0 : i32
      %dma_start3A_129 = arith.constant 0 : i32
      %dma_start3A_130 = tpu.memref_slice %arg4[%dma_start3A_128, %dma_start3A_129] : memref<10112x48xf32, #tpu.memory_space<hbm>> -> memref<10112x48xf32, #tpu.memory_space<hbm>>
      tpu.enqueue_indirect_dma source(%dma_start3A_130 : memref<10112x48xf32, #tpu.memory_space<hbm>>) target(%arg12 : memref<128x48xf32, #tpu.memory_space<vmem>>) offsets(%dma_start3A_127 : memref<128xi32, #tpu.memory_space<vmem>>) semaphore(%arg18 : memref<!tpu.dma_semaphore, #tpu.memory_space<semaphore_mem>>)
    }
    %scan3A_32 = arith.constant 19 : i32
    %dma_wait3A = arith.constant 0 : i32
    %dma_wait3A_33 = tpu.memref_slice %arg7[%dma_wait3A] : memref<10240xi32, #tpu.memory_space<vmem>> -> memref<128xi32, #tpu.memory_space<vmem>>
    %dma_wait3A_34 = arith.constant 0 : i32
    %dma_wait3A_35 = arith.constant 0 : i32
    %dma_wait3A_36 = tpu.memref_slice %arg4[%dma_wait3A_34, %dma_wait3A_35] : memref<10112x48xf32, #tpu.memory_space<hbm>> -> memref<10112x48xf32, #tpu.memory_space<hbm>>
    tpu.wait_indirect_dma semaphore(%arg15 : memref<!tpu.dma_semaphore, #tpu.memory_space<semaphore_mem>>) src(%dma_wait3A_36 : memref<10112x48xf32, #tpu.memory_space<hbm>>) dst(%arg9 : memref<128x48xf32, #tpu.memory_space<vmem>>)
    %run_scoped3A = arith.constant 76 : i32
    "tpu.region"() ({
      %run_scoped3A_60 = tpu.sem_alloc : memref<!tpu.dma_semaphore, #tpu.memory_space<semaphore_mem>>
      %dma_start3A_61 = arith.constant 0 : i32
      %dma_start3A_62 = tpu.memref_slice %arg8[%run_scoped3A, %dma_start3A_61] : memref<80x128xi32, #tpu.memory_space<vmem>> -> memref<1x128xi32, #tpu.memory_space<vmem>>
      %dma_start3A_63 = tpu.memref_squeeze %dma_start3A_62 : memref<1x128xi32, #tpu.memory_space<vmem>> -> memref<128xi32, #tpu.memory_space<vmem>>
      %dma_start3A_64 = arith.constant 0 : i32
      %dma_start3A_65 = arith.constant 0 : i32
      %dma_start3A_66 = tpu.memref_slice %arg14[%dma_start3A_64, %dma_start3A_65] : memref<10112x48xf32, #tpu.memory_space<vmem_shared>> -> memref<10112x48xf32, #tpu.memory_space<vmem_shared>>
      tpu.enqueue_indirect_dma source(%arg9 : memref<128x48xf32, #tpu.memory_space<vmem>>) target(%dma_start3A_66 : memref<10112x48xf32, #tpu.memory_space<vmem_shared>>) offsets(%dma_start3A_63 : memref<128xi32, #tpu.memory_space<vmem>>) semaphore(%run_scoped3A_60 : memref<!tpu.dma_semaphore, #tpu.memory_space<semaphore_mem>>) {add = true}
      %dma_wait3A_67 = arith.constant 0 : i32
      %dma_wait3A_68 = tpu.memref_slice %arg8[%run_scoped3A, %dma_wait3A_67] : memref<80x128xi32, #tpu.memory_space<vmem>> -> memref<1x128xi32, #tpu.memory_space<vmem>>
      %dma_wait3A_69 = tpu.memref_squeeze %dma_wait3A_68 : memref<1x128xi32, #tpu.memory_space<vmem>> -> memref<128xi32, #tpu.memory_space<vmem>>
      %dma_wait3A_70 = arith.constant 0 : i32
      %dma_wait3A_71 = arith.constant 0 : i32
      %dma_wait3A_72 = tpu.memref_slice %arg14[%dma_wait3A_70, %dma_wait3A_71] : memref<10112x48xf32, #tpu.memory_space<vmem_shared>> -> memref<10112x48xf32, #tpu.memory_space<vmem_shared>>
      tpu.wait_indirect_dma semaphore(%run_scoped3A_60 : memref<!tpu.dma_semaphore, #tpu.memory_space<semaphore_mem>>) src(%arg9 : memref<128x48xf32, #tpu.memory_space<vmem>>) dst(%dma_wait3A_72 : memref<10112x48xf32, #tpu.memory_space<vmem_shared>>)
      tpu.yield
    }) : () -> ()
    %dma_wait3A_37 = arith.constant 0 : i32
    %dma_wait3A_38 = tpu.memref_slice %arg7[%dma_wait3A_37] : memref<10240xi32, #tpu.memory_space<vmem>> -> memref<128xi32, #tpu.memory_space<vmem>>
    %dma_wait3A_39 = arith.constant 0 : i32
    %dma_wait3A_40 = arith.constant 0 : i32
    %dma_wait3A_41 = tpu.memref_slice %arg4[%dma_wait3A_39, %dma_wait3A_40] : memref<10112x48xf32, #tpu.memory_space<hbm>> -> memref<10112x48xf32, #tpu.memory_space<hbm>>
    tpu.wait_indirect_dma semaphore(%arg16 : memref<!tpu.dma_semaphore, #tpu.memory_space<semaphore_mem>>) src(%dma_wait3A_41 : memref<10112x48xf32, #tpu.memory_space<hbm>>) dst(%arg10 : memref<128x48xf32, #tpu.memory_space<vmem>>)
    %run_scoped3A_42 = arith.constant 77 : i32
    "tpu.region"() ({
      %run_scoped3A_60 = tpu.sem_alloc : memref<!tpu.dma_semaphore, #tpu.memory_space<semaphore_mem>>
      %dma_start3A_61 = arith.constant 0 : i32
      %dma_start3A_62 = tpu.memref_slice %arg8[%run_scoped3A_42, %dma_start3A_61] : memref<80x128xi32, #tpu.memory_space<vmem>> -> memref<1x128xi32, #tpu.memory_space<vmem>>
      %dma_start3A_63 = tpu.memref_squeeze %dma_start3A_62 : memref<1x128xi32, #tpu.memory_space<vmem>> -> memref<128xi32, #tpu.memory_space<vmem>>
      %dma_start3A_64 = arith.constant 0 : i32
      %dma_start3A_65 = arith.constant 0 : i32
      %dma_start3A_66 = tpu.memref_slice %arg14[%dma_start3A_64, %dma_start3A_65] : memref<10112x48xf32, #tpu.memory_space<vmem_shared>> -> memref<10112x48xf32, #tpu.memory_space<vmem_shared>>
      tpu.enqueue_indirect_dma source(%arg10 : memref<128x48xf32, #tpu.memory_space<vmem>>) target(%dma_start3A_66 : memref<10112x48xf32, #tpu.memory_space<vmem_shared>>) offsets(%dma_start3A_63 : memref<128xi32, #tpu.memory_space<vmem>>) semaphore(%run_scoped3A_60 : memref<!tpu.dma_semaphore, #tpu.memory_space<semaphore_mem>>) {add = true}
      %dma_wait3A_67 = arith.constant 0 : i32
      %dma_wait3A_68 = tpu.memref_slice %arg8[%run_scoped3A_42, %dma_wait3A_67] : memref<80x128xi32, #tpu.memory_space<vmem>> -> memref<1x128xi32, #tpu.memory_space<vmem>>
      %dma_wait3A_69 = tpu.memref_squeeze %dma_wait3A_68 : memref<1x128xi32, #tpu.memory_space<vmem>> -> memref<128xi32, #tpu.memory_space<vmem>>
      %dma_wait3A_70 = arith.constant 0 : i32
      %dma_wait3A_71 = arith.constant 0 : i32
      %dma_wait3A_72 = tpu.memref_slice %arg14[%dma_wait3A_70, %dma_wait3A_71] : memref<10112x48xf32, #tpu.memory_space<vmem_shared>> -> memref<10112x48xf32, #tpu.memory_space<vmem_shared>>
      tpu.wait_indirect_dma semaphore(%run_scoped3A_60 : memref<!tpu.dma_semaphore, #tpu.memory_space<semaphore_mem>>) src(%arg10 : memref<128x48xf32, #tpu.memory_space<vmem>>) dst(%dma_wait3A_72 : memref<10112x48xf32, #tpu.memory_space<vmem_shared>>)
      tpu.yield
    }) : () -> ()
    %dma_wait3A_43 = arith.constant 0 : i32
    %dma_wait3A_44 = tpu.memref_slice %arg7[%dma_wait3A_43] : memref<10240xi32, #tpu.memory_space<vmem>> -> memref<128xi32, #tpu.memory_space<vmem>>
    %dma_wait3A_45 = arith.constant 0 : i32
    %dma_wait3A_46 = arith.constant 0 : i32
    %dma_wait3A_47 = tpu.memref_slice %arg4[%dma_wait3A_45, %dma_wait3A_46] : memref<10112x48xf32, #tpu.memory_space<hbm>> -> memref<10112x48xf32, #tpu.memory_space<hbm>>
    tpu.wait_indirect_dma semaphore(%arg17 : memref<!tpu.dma_semaphore, #tpu.memory_space<semaphore_mem>>) src(%dma_wait3A_47 : memref<10112x48xf32, #tpu.memory_space<hbm>>) dst(%arg11 : memref<128x48xf32, #tpu.memory_space<vmem>>)
    %run_scoped3A_48 = arith.constant 78 : i32
    "tpu.region"() ({
      %run_scoped3A_60 = tpu.sem_alloc : memref<!tpu.dma_semaphore, #tpu.memory_space<semaphore_mem>>
      %dma_start3A_61 = arith.constant 0 : i32
      %dma_start3A_62 = tpu.memref_slice %arg8[%run_scoped3A_48, %dma_start3A_61] : memref<80x128xi32, #tpu.memory_space<vmem>> -> memref<1x128xi32, #tpu.memory_space<vmem>>
      %dma_start3A_63 = tpu.memref_squeeze %dma_start3A_62 : memref<1x128xi32, #tpu.memory_space<vmem>> -> memref<128xi32, #tpu.memory_space<vmem>>
      %dma_start3A_64 = arith.constant 0 : i32
      %dma_start3A_65 = arith.constant 0 : i32
      %dma_start3A_66 = tpu.memref_slice %arg14[%dma_start3A_64, %dma_start3A_65] : memref<10112x48xf32, #tpu.memory_space<vmem_shared>> -> memref<10112x48xf32, #tpu.memory_space<vmem_shared>>
      tpu.enqueue_indirect_dma source(%arg11 : memref<128x48xf32, #tpu.memory_space<vmem>>) target(%dma_start3A_66 : memref<10112x48xf32, #tpu.memory_space<vmem_shared>>) offsets(%dma_start3A_63 : memref<128xi32, #tpu.memory_space<vmem>>) semaphore(%run_scoped3A_60 : memref<!tpu.dma_semaphore, #tpu.memory_space<semaphore_mem>>) {add = true}
      %dma_wait3A_67 = arith.constant 0 : i32
      %dma_wait3A_68 = tpu.memref_slice %arg8[%run_scoped3A_48, %dma_wait3A_67] : memref<80x128xi32, #tpu.memory_space<vmem>> -> memref<1x128xi32, #tpu.memory_space<vmem>>
      %dma_wait3A_69 = tpu.memref_squeeze %dma_wait3A_68 : memref<1x128xi32, #tpu.memory_space<vmem>> -> memref<128xi32, #tpu.memory_space<vmem>>
      %dma_wait3A_70 = arith.constant 0 : i32
      %dma_wait3A_71 = arith.constant 0 : i32
      %dma_wait3A_72 = tpu.memref_slice %arg14[%dma_wait3A_70, %dma_wait3A_71] : memref<10112x48xf32, #tpu.memory_space<vmem_shared>> -> memref<10112x48xf32, #tpu.memory_space<vmem_shared>>
      tpu.wait_indirect_dma semaphore(%run_scoped3A_60 : memref<!tpu.dma_semaphore, #tpu.memory_space<semaphore_mem>>) src(%arg11 : memref<128x48xf32, #tpu.memory_space<vmem>>) dst(%dma_wait3A_72 : memref<10112x48xf32, #tpu.memory_space<vmem_shared>>)
      tpu.yield
    }) : () -> ()
    %dma_wait3A_49 = arith.constant 0 : i32
    %dma_wait3A_50 = tpu.memref_slice %arg7[%dma_wait3A_49] : memref<10240xi32, #tpu.memory_space<vmem>> -> memref<128xi32, #tpu.memory_space<vmem>>
    %dma_wait3A_51 = arith.constant 0 : i32
    %dma_wait3A_52 = arith.constant 0 : i32
    %dma_wait3A_53 = tpu.memref_slice %arg4[%dma_wait3A_51, %dma_wait3A_52] : memref<10112x48xf32, #tpu.memory_space<hbm>> -> memref<10112x48xf32, #tpu.memory_space<hbm>>
    tpu.wait_indirect_dma semaphore(%arg18 : memref<!tpu.dma_semaphore, #tpu.memory_space<semaphore_mem>>) src(%dma_wait3A_53 : memref<10112x48xf32, #tpu.memory_space<hbm>>) dst(%arg12 : memref<128x48xf32, #tpu.memory_space<vmem>>)
    %run_scoped3A_54 = arith.constant 79 : i32
    "tpu.region"() ({
      %run_scoped3A_60 = tpu.sem_alloc : memref<!tpu.dma_semaphore, #tpu.memory_space<semaphore_mem>>
      %dma_start3A_61 = arith.constant 0 : i32
      %dma_start3A_62 = tpu.memref_slice %arg8[%run_scoped3A_54, %dma_start3A_61] : memref<80x128xi32, #tpu.memory_space<vmem>> -> memref<1x128xi32, #tpu.memory_space<vmem>>
      %dma_start3A_63 = tpu.memref_squeeze %dma_start3A_62 : memref<1x128xi32, #tpu.memory_space<vmem>> -> memref<128xi32, #tpu.memory_space<vmem>>
      %dma_start3A_64 = arith.constant 0 : i32
      %dma_start3A_65 = arith.constant 0 : i32
      %dma_start3A_66 = tpu.memref_slice %arg14[%dma_start3A_64, %dma_start3A_65] : memref<10112x48xf32, #tpu.memory_space<vmem_shared>> -> memref<10112x48xf32, #tpu.memory_space<vmem_shared>>
      tpu.enqueue_indirect_dma source(%arg12 : memref<128x48xf32, #tpu.memory_space<vmem>>) target(%dma_start3A_66 : memref<10112x48xf32, #tpu.memory_space<vmem_shared>>) offsets(%dma_start3A_63 : memref<128xi32, #tpu.memory_space<vmem>>) semaphore(%run_scoped3A_60 : memref<!tpu.dma_semaphore, #tpu.memory_space<semaphore_mem>>) {add = true}
      %dma_wait3A_67 = arith.constant 0 : i32
      %dma_wait3A_68 = tpu.memref_slice %arg8[%run_scoped3A_54, %dma_wait3A_67] : memref<80x128xi32, #tpu.memory_space<vmem>> -> memref<1x128xi32, #tpu.memory_space<vmem>>
      %dma_wait3A_69 = tpu.memref_squeeze %dma_wait3A_68 : memref<1x128xi32, #tpu.memory_space<vmem>> -> memref<128xi32, #tpu.memory_space<vmem>>
      %dma_wait3A_70 = arith.constant 0 : i32
      %dma_wait3A_71 = arith.constant 0 : i32
      %dma_wait3A_72 = tpu.memref_slice %arg14[%dma_wait3A_70, %dma_wait3A_71] : memref<10112x48xf32, #tpu.memory_space<vmem_shared>> -> memref<10112x48xf32, #tpu.memory_space<vmem_shared>>
      tpu.wait_indirect_dma semaphore(%run_scoped3A_60 : memref<!tpu.dma_semaphore, #tpu.memory_space<semaphore_mem>>) src(%arg12 : memref<128x48xf32, #tpu.memory_space<vmem>>) dst(%dma_wait3A_72 : memref<10112x48xf32, #tpu.memory_space<vmem_shared>>)
      tpu.yield
    }) : () -> ()
    %barrier3A_55 = arith.constant 0 : index
    tpu.barrier barrier_id(%barrier3A_55)
    %mul3A_56 = arith.constant 632 : i32
    %mul3A_57 = arith.muli %arg1, %mul3A_56 : i32
    "tpu.region"() ({
      %run_scoped3A_60 = tpu.sem_alloc : memref<!tpu.dma_semaphore, #tpu.memory_space<semaphore_mem>>
      %dma_start3A_61 = arith.constant 0 : i32
      %dma_start3A_62 = tpu.memref_slice %arg14[%mul3A_57, %dma_start3A_61] : memref<10112x48xf32, #tpu.memory_space<vmem_shared>> -> memref<632x48xf32, #tpu.memory_space<vmem_shared>>
      %dma_start3A_63 = arith.constant 0 : i32
      %dma_start3A_64 = tpu.memref_slice %arg14[%mul3A_57, %dma_start3A_63] : memref<10112x48xf32, #tpu.memory_space<vmem_shared>> -> memref<632x48xf32, #tpu.memory_space<vmem_shared>>
      tpu.enqueue_dma source(%dma_start3A_64 : memref<632x48xf32, #tpu.memory_space<vmem_shared>>) target(%arg13 : memref<632x48xf32, #tpu.memory_space<vmem>>) target_semaphore(%run_scoped3A_60 : memref<!tpu.dma_semaphore, #tpu.memory_space<semaphore_mem>>)
      %dma_wait3A_65 = arith.constant 0 : i32
      %dma_wait3A_66 = tpu.memref_slice %arg14[%mul3A_57, %dma_wait3A_65] : memref<10112x48xf32, #tpu.memory_space<vmem_shared>> -> memref<632x48xf32, #tpu.memory_space<vmem_shared>>
      %dma_wait3A_67 = arith.constant 0 : i32
      %dma_wait3A_68 = tpu.memref_slice %arg14[%mul3A_57, %dma_wait3A_67] : memref<10112x48xf32, #tpu.memory_space<vmem_shared>> -> memref<632x48xf32, #tpu.memory_space<vmem_shared>>
      tpu.wait_dma2 semaphore(%run_scoped3A_60 : memref<!tpu.dma_semaphore, #tpu.memory_space<semaphore_mem>>) src(%dma_wait3A_68 : memref<632x48xf32, #tpu.memory_space<vmem_shared>>) dst(%arg13 : memref<632x48xf32, #tpu.memory_space<vmem>>)
      tpu.yield
    }) : () -> ()
    %mul3A_58 = arith.constant 632 : i32
    %mul3A_59 = arith.muli %arg1, %mul3A_58 : i32
    "tpu.region"() ({
      %run_scoped3A_60 = tpu.sem_alloc : memref<!tpu.dma_semaphore, #tpu.memory_space<semaphore_mem>>
      %dma_start3A_61 = arith.constant 0 : i32
      %dma_start3A_62 = tpu.memref_slice %arg6[%arg0, %mul3A_59, %dma_start3A_61] : memref<2x10112x48xf32, #tpu.memory_space<hbm>> -> memref<1x632x48xf32, #tpu.memory_space<hbm>>
      %dma_start3A_63 = tpu.memref_squeeze %dma_start3A_62 : memref<1x632x48xf32, #tpu.memory_space<hbm>> -> memref<632x48xf32, #tpu.memory_space<hbm>>
      %dma_start3A_64 = arith.constant 0 : i32
      %dma_start3A_65 = tpu.memref_slice %arg6[%arg0, %mul3A_59, %dma_start3A_64] : memref<2x10112x48xf32, #tpu.memory_space<hbm>> -> memref<1x632x48xf32, #tpu.memory_space<hbm>>
      %dma_start3A_66 = tpu.memref_squeeze %dma_start3A_65 : memref<1x632x48xf32, #tpu.memory_space<hbm>> -> memref<632x48xf32, #tpu.memory_space<hbm>>
      tpu.enqueue_dma source(%arg13 : memref<632x48xf32, #tpu.memory_space<vmem>>) target(%dma_start3A_66 : memref<632x48xf32, #tpu.memory_space<hbm>>) target_semaphore(%run_scoped3A_60 : memref<!tpu.dma_semaphore, #tpu.memory_space<semaphore_mem>>)
      %dma_wait3A_67 = arith.constant 0 : i32
      %dma_wait3A_68 = tpu.memref_slice %arg6[%arg0, %mul3A_59, %dma_wait3A_67] : memref<2x10112x48xf32, #tpu.memory_space<hbm>> -> memref<1x632x48xf32, #tpu.memory_space<hbm>>
      %dma_wait3A_69 = tpu.memref_squeeze %dma_wait3A_68 : memref<1x632x48xf32, #tpu.memory_space<hbm>> -> memref<632x48xf32, #tpu.memory_space<hbm>>
      %dma_wait3A_70 = arith.constant 0 : i32
      %dma_wait3A_71 = tpu.memref_slice %arg6[%arg0, %mul3A_59, %dma_wait3A_70] : memref<2x10112x48xf32, #tpu.memory_space<hbm>> -> memref<1x632x48xf32, #tpu.memory_space<hbm>>
      %dma_wait3A_72 = tpu.memref_squeeze %dma_wait3A_71 : memref<1x632x48xf32, #tpu.memory_space<hbm>> -> memref<632x48xf32, #tpu.memory_space<hbm>>
      tpu.wait_dma2 semaphore(%run_scoped3A_60 : memref<!tpu.dma_semaphore, #tpu.memory_space<semaphore_mem>>) src(%arg13 : memref<632x48xf32, #tpu.memory_space<vmem>>) dst(%dma_wait3A_72 : memref<632x48xf32, #tpu.memory_space<hbm>>)
      tpu.yield
    }) : () -> ()
    return
  }
}

#map = affine_map<(d0, d1) -> (0, 0)>
#map1 = affine_map<(d0, d1) -> (0)>
module attributes {stable_mosaic.version = 14 : i64} {
  func.func @k(%arg0: i32, %arg1: i32, %arg2: memref<2560x128xi32, #tpu.memory_space<hbm>>, %arg3: memref<10112xf32, #tpu.memory_space<hbm>>, %arg4: memref<128xf32, #tpu.memory_space<hbm>>, %arg5: memref<20224xf32, #tpu.memory_space<hbm>>, %arg6: memref<80x128xi32, #tpu.memory_space<vmem>>, %arg7: memref<128xf32, #tpu.memory_space<vmem>>, %arg8: memref<632xf32, #tpu.memory_space<vmem>>, %arg9: memref<10112xf32, #tpu.memory_space<vmem_shared>>, %arg10: memref<!tpu.dma_semaphore, #tpu.memory_space<semaphore_mem>>) attributes {dimension_semantics = [#tpu.dimension_semantics<core_parallel>, #tpu.dimension_semantics<subcore_parallel>], iteration_bounds = array<i64: 2, 16>, scalar_prefetch = 0 : i64, scratch_operands = 5 : i64, tpu.core_type = #tpu.core_type<sc_vector_subcore>, window_params = [{transform_indices = #map}, {transform_indices = #map1}, {transform_indices = #map1}, {transform_indices = #map1}]} {
    %mul3A = arith.constant 16 : i32
    %mul3A_0 = arith.muli %arg0, %mul3A : i32
    %add3A = arith.addi %mul3A_0, %arg1 : i32
    "tpu.region"() ({
      %run_scoped3A = tpu.sem_alloc : memref<!tpu.dma_semaphore, #tpu.memory_space<semaphore_mem>>
      tpu.enqueue_dma source(%arg4 : memref<128xf32, #tpu.memory_space<hbm>>) target(%arg7 : memref<128xf32, #tpu.memory_space<vmem>>) target_semaphore(%run_scoped3A : memref<!tpu.dma_semaphore, #tpu.memory_space<semaphore_mem>>)
      tpu.wait_dma2 semaphore(%run_scoped3A : memref<!tpu.dma_semaphore, #tpu.memory_space<semaphore_mem>>) src(%arg4 : memref<128xf32, #tpu.memory_space<hbm>>) dst(%arg7 : memref<128xf32, #tpu.memory_space<vmem>>)
      tpu.yield
    }) : () -> ()
    %mul3A_1 = arith.constant 80 : i32
    %mul3A_2 = arith.muli %add3A, %mul3A_1 : i32
    "tpu.region"() ({
      %run_scoped3A = tpu.sem_alloc : memref<!tpu.dma_semaphore, #tpu.memory_space<semaphore_mem>>
      %dma_start3A = arith.constant 0 : i32
      %dma_start3A_20 = tpu.memref_slice %arg2[%mul3A_2, %dma_start3A] : memref<2560x128xi32, #tpu.memory_space<hbm>> -> memref<80x128xi32, #tpu.memory_space<hbm>>
      %dma_start3A_21 = arith.constant 0 : i32
      %dma_start3A_22 = tpu.memref_slice %arg2[%mul3A_2, %dma_start3A_21] : memref<2560x128xi32, #tpu.memory_space<hbm>> -> memref<80x128xi32, #tpu.memory_space<hbm>>
      tpu.enqueue_dma source(%dma_start3A_22 : memref<80x128xi32, #tpu.memory_space<hbm>>) target(%arg6 : memref<80x128xi32, #tpu.memory_space<vmem>>) target_semaphore(%run_scoped3A : memref<!tpu.dma_semaphore, #tpu.memory_space<semaphore_mem>>)
      %dma_wait3A = arith.constant 0 : i32
      %dma_wait3A_23 = tpu.memref_slice %arg2[%mul3A_2, %dma_wait3A] : memref<2560x128xi32, #tpu.memory_space<hbm>> -> memref<80x128xi32, #tpu.memory_space<hbm>>
      %dma_wait3A_24 = arith.constant 0 : i32
      %dma_wait3A_25 = tpu.memref_slice %arg2[%mul3A_2, %dma_wait3A_24] : memref<2560x128xi32, #tpu.memory_space<hbm>> -> memref<80x128xi32, #tpu.memory_space<hbm>>
      tpu.wait_dma2 semaphore(%run_scoped3A : memref<!tpu.dma_semaphore, #tpu.memory_space<semaphore_mem>>) src(%dma_wait3A_25 : memref<80x128xi32, #tpu.memory_space<hbm>>) dst(%arg6 : memref<80x128xi32, #tpu.memory_space<vmem>>)
      tpu.yield
    }) : () -> ()
    %mul3A_3 = arith.constant 632 : i32
    %mul3A_4 = arith.muli %arg1, %mul3A_3 : i32
    "tpu.region"() ({
      %run_scoped3A = tpu.sem_alloc : memref<!tpu.dma_semaphore, #tpu.memory_space<semaphore_mem>>
      %dma_start3A = tpu.memref_slice %arg3[%mul3A_4] : memref<10112xf32, #tpu.memory_space<hbm>> -> memref<632xf32, #tpu.memory_space<hbm>>
      %dma_start3A_20 = tpu.memref_slice %arg3[%mul3A_4] : memref<10112xf32, #tpu.memory_space<hbm>> -> memref<632xf32, #tpu.memory_space<hbm>>
      tpu.enqueue_dma source(%dma_start3A_20 : memref<632xf32, #tpu.memory_space<hbm>>) target(%arg8 : memref<632xf32, #tpu.memory_space<vmem>>) target_semaphore(%run_scoped3A : memref<!tpu.dma_semaphore, #tpu.memory_space<semaphore_mem>>)
      %dma_wait3A = tpu.memref_slice %arg3[%mul3A_4] : memref<10112xf32, #tpu.memory_space<hbm>> -> memref<632xf32, #tpu.memory_space<hbm>>
      %dma_wait3A_21 = tpu.memref_slice %arg3[%mul3A_4] : memref<10112xf32, #tpu.memory_space<hbm>> -> memref<632xf32, #tpu.memory_space<hbm>>
      tpu.wait_dma2 semaphore(%run_scoped3A : memref<!tpu.dma_semaphore, #tpu.memory_space<semaphore_mem>>) src(%dma_wait3A_21 : memref<632xf32, #tpu.memory_space<hbm>>) dst(%arg8 : memref<632xf32, #tpu.memory_space<vmem>>)
      tpu.yield
    }) : () -> ()
    %mul3A_5 = arith.constant 632 : i32
    %mul3A_6 = arith.muli %arg1, %mul3A_5 : i32
    "tpu.region"() ({
      %run_scoped3A = tpu.sem_alloc : memref<!tpu.dma_semaphore, #tpu.memory_space<semaphore_mem>>
      %dma_start3A = tpu.memref_slice %arg9[%mul3A_6] : memref<10112xf32, #tpu.memory_space<vmem_shared>> -> memref<632xf32, #tpu.memory_space<vmem_shared>>
      %dma_start3A_20 = tpu.memref_slice %arg9[%mul3A_6] : memref<10112xf32, #tpu.memory_space<vmem_shared>> -> memref<632xf32, #tpu.memory_space<vmem_shared>>
      tpu.enqueue_dma source(%arg8 : memref<632xf32, #tpu.memory_space<vmem>>) target(%dma_start3A_20 : memref<632xf32, #tpu.memory_space<vmem_shared>>) target_semaphore(%run_scoped3A : memref<!tpu.dma_semaphore, #tpu.memory_space<semaphore_mem>>)
      %dma_wait3A = tpu.memref_slice %arg9[%mul3A_6] : memref<10112xf32, #tpu.memory_space<vmem_shared>> -> memref<632xf32, #tpu.memory_space<vmem_shared>>
      %dma_wait3A_21 = tpu.memref_slice %arg9[%mul3A_6] : memref<10112xf32, #tpu.memory_space<vmem_shared>> -> memref<632xf32, #tpu.memory_space<vmem_shared>>
      tpu.wait_dma2 semaphore(%run_scoped3A : memref<!tpu.dma_semaphore, #tpu.memory_space<semaphore_mem>>) src(%arg8 : memref<632xf32, #tpu.memory_space<vmem>>) dst(%dma_wait3A_21 : memref<632xf32, #tpu.memory_space<vmem_shared>>)
      tpu.yield
    }) : () -> ()
    %barrier3A = arith.constant 0 : index
    tpu.barrier barrier_id(%barrier3A)
    %scan3A = arith.constant 0 : i32
    %scan3A_7 = arith.constant 0 : i32
    %scan3A_8 = arith.constant 10 : i32
    %scan3A_9 = arith.addi %scan3A_7, %scan3A_8 : i32
    %scan3A_10 = arith.constant 1 : i32
    scf.for %scan3A_20 = %scan3A_7 to %scan3A_9 step %scan3A_10  : i32 {
      %mul3A_21 = arith.constant 8 : i32
      %mul3A_22 = arith.muli %scan3A_20, %mul3A_21 : i32
      %add3A_23 = arith.constant 0 : i32
      %add3A_24 = arith.addi %mul3A_22, %add3A_23 : i32
      %dma_start3A = arith.constant 0 : i32
      %dma_start3A_25 = tpu.memref_slice %arg6[%add3A_24, %dma_start3A] : memref<80x128xi32, #tpu.memory_space<vmem>> -> memref<1x128xi32, #tpu.memory_space<vmem>>
      %dma_start3A_26 = tpu.memref_squeeze %dma_start3A_25 : memref<1x128xi32, #tpu.memory_space<vmem>> -> memref<128xi32, #tpu.memory_space<vmem>>
      %dma_start3A_27 = arith.constant 0 : i32
      %dma_start3A_28 = tpu.memref_slice %arg9[%dma_start3A_27] : memref<10112xf32, #tpu.memory_space<vmem_shared>> -> memref<10112xf32, #tpu.memory_space<vmem_shared>>
      tpu.enqueue_indirect_dma source(%arg7 : memref<128xf32, #tpu.memory_space<vmem>>) target(%dma_start3A_28 : memref<10112xf32, #tpu.memory_space<vmem_shared>>) offsets(%dma_start3A_26 : memref<128xi32, #tpu.memory_space<vmem>>) semaphore(%arg10 : memref<!tpu.dma_semaphore, #tpu.memory_space<semaphore_mem>>) {add = true}
      %mul3A_29 = arith.constant 8 : i32
      %mul3A_30 = arith.muli %scan3A_20, %mul3A_29 : i32
      %add3A_31 = arith.constant 1 : i32
      %add3A_32 = arith.addi %mul3A_30, %add3A_31 : i32
      %dma_start3A_33 = arith.constant 0 : i32
      %dma_start3A_34 = tpu.memref_slice %arg6[%add3A_32, %dma_start3A_33] : memref<80x128xi32, #tpu.memory_space<vmem>> -> memref<1x128xi32, #tpu.memory_space<vmem>>
      %dma_start3A_35 = tpu.memref_squeeze %dma_start3A_34 : memref<1x128xi32, #tpu.memory_space<vmem>> -> memref<128xi32, #tpu.memory_space<vmem>>
      %dma_start3A_36 = arith.constant 0 : i32
      %dma_start3A_37 = tpu.memref_slice %arg9[%dma_start3A_36] : memref<10112xf32, #tpu.memory_space<vmem_shared>> -> memref<10112xf32, #tpu.memory_space<vmem_shared>>
      tpu.enqueue_indirect_dma source(%arg7 : memref<128xf32, #tpu.memory_space<vmem>>) target(%dma_start3A_37 : memref<10112xf32, #tpu.memory_space<vmem_shared>>) offsets(%dma_start3A_35 : memref<128xi32, #tpu.memory_space<vmem>>) semaphore(%arg10 : memref<!tpu.dma_semaphore, #tpu.memory_space<semaphore_mem>>) {add = true}
      %mul3A_38 = arith.constant 8 : i32
      %mul3A_39 = arith.muli %scan3A_20, %mul3A_38 : i32
      %add3A_40 = arith.constant 2 : i32
      %add3A_41 = arith.addi %mul3A_39, %add3A_40 : i32
      %dma_start3A_42 = arith.constant 0 : i32
      %dma_start3A_43 = tpu.memref_slice %arg6[%add3A_41, %dma_start3A_42] : memref<80x128xi32, #tpu.memory_space<vmem>> -> memref<1x128xi32, #tpu.memory_space<vmem>>
      %dma_start3A_44 = tpu.memref_squeeze %dma_start3A_43 : memref<1x128xi32, #tpu.memory_space<vmem>> -> memref<128xi32, #tpu.memory_space<vmem>>
      %dma_start3A_45 = arith.constant 0 : i32
      %dma_start3A_46 = tpu.memref_slice %arg9[%dma_start3A_45] : memref<10112xf32, #tpu.memory_space<vmem_shared>> -> memref<10112xf32, #tpu.memory_space<vmem_shared>>
      tpu.enqueue_indirect_dma source(%arg7 : memref<128xf32, #tpu.memory_space<vmem>>) target(%dma_start3A_46 : memref<10112xf32, #tpu.memory_space<vmem_shared>>) offsets(%dma_start3A_44 : memref<128xi32, #tpu.memory_space<vmem>>) semaphore(%arg10 : memref<!tpu.dma_semaphore, #tpu.memory_space<semaphore_mem>>) {add = true}
      %mul3A_47 = arith.constant 8 : i32
      %mul3A_48 = arith.muli %scan3A_20, %mul3A_47 : i32
      %add3A_49 = arith.constant 3 : i32
      %add3A_50 = arith.addi %mul3A_48, %add3A_49 : i32
      %dma_start3A_51 = arith.constant 0 : i32
      %dma_start3A_52 = tpu.memref_slice %arg6[%add3A_50, %dma_start3A_51] : memref<80x128xi32, #tpu.memory_space<vmem>> -> memref<1x128xi32, #tpu.memory_space<vmem>>
      %dma_start3A_53 = tpu.memref_squeeze %dma_start3A_52 : memref<1x128xi32, #tpu.memory_space<vmem>> -> memref<128xi32, #tpu.memory_space<vmem>>
      %dma_start3A_54 = arith.constant 0 : i32
      %dma_start3A_55 = tpu.memref_slice %arg9[%dma_start3A_54] : memref<10112xf32, #tpu.memory_space<vmem_shared>> -> memref<10112xf32, #tpu.memory_space<vmem_shared>>
      tpu.enqueue_indirect_dma source(%arg7 : memref<128xf32, #tpu.memory_space<vmem>>) target(%dma_start3A_55 : memref<10112xf32, #tpu.memory_space<vmem_shared>>) offsets(%dma_start3A_53 : memref<128xi32, #tpu.memory_space<vmem>>) semaphore(%arg10 : memref<!tpu.dma_semaphore, #tpu.memory_space<semaphore_mem>>) {add = true}
      %mul3A_56 = arith.constant 8 : i32
      %mul3A_57 = arith.muli %scan3A_20, %mul3A_56 : i32
      %add3A_58 = arith.constant 4 : i32
      %add3A_59 = arith.addi %mul3A_57, %add3A_58 : i32
      %dma_start3A_60 = arith.constant 0 : i32
      %dma_start3A_61 = tpu.memref_slice %arg6[%add3A_59, %dma_start3A_60] : memref<80x128xi32, #tpu.memory_space<vmem>> -> memref<1x128xi32, #tpu.memory_space<vmem>>
      %dma_start3A_62 = tpu.memref_squeeze %dma_start3A_61 : memref<1x128xi32, #tpu.memory_space<vmem>> -> memref<128xi32, #tpu.memory_space<vmem>>
      %dma_start3A_63 = arith.constant 0 : i32
      %dma_start3A_64 = tpu.memref_slice %arg9[%dma_start3A_63] : memref<10112xf32, #tpu.memory_space<vmem_shared>> -> memref<10112xf32, #tpu.memory_space<vmem_shared>>
      tpu.enqueue_indirect_dma source(%arg7 : memref<128xf32, #tpu.memory_space<vmem>>) target(%dma_start3A_64 : memref<10112xf32, #tpu.memory_space<vmem_shared>>) offsets(%dma_start3A_62 : memref<128xi32, #tpu.memory_space<vmem>>) semaphore(%arg10 : memref<!tpu.dma_semaphore, #tpu.memory_space<semaphore_mem>>) {add = true}
      %mul3A_65 = arith.constant 8 : i32
      %mul3A_66 = arith.muli %scan3A_20, %mul3A_65 : i32
      %add3A_67 = arith.constant 5 : i32
      %add3A_68 = arith.addi %mul3A_66, %add3A_67 : i32
      %dma_start3A_69 = arith.constant 0 : i32
      %dma_start3A_70 = tpu.memref_slice %arg6[%add3A_68, %dma_start3A_69] : memref<80x128xi32, #tpu.memory_space<vmem>> -> memref<1x128xi32, #tpu.memory_space<vmem>>
      %dma_start3A_71 = tpu.memref_squeeze %dma_start3A_70 : memref<1x128xi32, #tpu.memory_space<vmem>> -> memref<128xi32, #tpu.memory_space<vmem>>
      %dma_start3A_72 = arith.constant 0 : i32
      %dma_start3A_73 = tpu.memref_slice %arg9[%dma_start3A_72] : memref<10112xf32, #tpu.memory_space<vmem_shared>> -> memref<10112xf32, #tpu.memory_space<vmem_shared>>
      tpu.enqueue_indirect_dma source(%arg7 : memref<128xf32, #tpu.memory_space<vmem>>) target(%dma_start3A_73 : memref<10112xf32, #tpu.memory_space<vmem_shared>>) offsets(%dma_start3A_71 : memref<128xi32, #tpu.memory_space<vmem>>) semaphore(%arg10 : memref<!tpu.dma_semaphore, #tpu.memory_space<semaphore_mem>>) {add = true}
      %mul3A_74 = arith.constant 8 : i32
      %mul3A_75 = arith.muli %scan3A_20, %mul3A_74 : i32
      %add3A_76 = arith.constant 6 : i32
      %add3A_77 = arith.addi %mul3A_75, %add3A_76 : i32
      %dma_start3A_78 = arith.constant 0 : i32
      %dma_start3A_79 = tpu.memref_slice %arg6[%add3A_77, %dma_start3A_78] : memref<80x128xi32, #tpu.memory_space<vmem>> -> memref<1x128xi32, #tpu.memory_space<vmem>>
      %dma_start3A_80 = tpu.memref_squeeze %dma_start3A_79 : memref<1x128xi32, #tpu.memory_space<vmem>> -> memref<128xi32, #tpu.memory_space<vmem>>
      %dma_start3A_81 = arith.constant 0 : i32
      %dma_start3A_82 = tpu.memref_slice %arg9[%dma_start3A_81] : memref<10112xf32, #tpu.memory_space<vmem_shared>> -> memref<10112xf32, #tpu.memory_space<vmem_shared>>
      tpu.enqueue_indirect_dma source(%arg7 : memref<128xf32, #tpu.memory_space<vmem>>) target(%dma_start3A_82 : memref<10112xf32, #tpu.memory_space<vmem_shared>>) offsets(%dma_start3A_80 : memref<128xi32, #tpu.memory_space<vmem>>) semaphore(%arg10 : memref<!tpu.dma_semaphore, #tpu.memory_space<semaphore_mem>>) {add = true}
      %mul3A_83 = arith.constant 8 : i32
      %mul3A_84 = arith.muli %scan3A_20, %mul3A_83 : i32
      %add3A_85 = arith.constant 7 : i32
      %add3A_86 = arith.addi %mul3A_84, %add3A_85 : i32
      %dma_start3A_87 = arith.constant 0 : i32
      %dma_start3A_88 = tpu.memref_slice %arg6[%add3A_86, %dma_start3A_87] : memref<80x128xi32, #tpu.memory_space<vmem>> -> memref<1x128xi32, #tpu.memory_space<vmem>>
      %dma_start3A_89 = tpu.memref_squeeze %dma_start3A_88 : memref<1x128xi32, #tpu.memory_space<vmem>> -> memref<128xi32, #tpu.memory_space<vmem>>
      %dma_start3A_90 = arith.constant 0 : i32
      %dma_start3A_91 = tpu.memref_slice %arg9[%dma_start3A_90] : memref<10112xf32, #tpu.memory_space<vmem_shared>> -> memref<10112xf32, #tpu.memory_space<vmem_shared>>
      tpu.enqueue_indirect_dma source(%arg7 : memref<128xf32, #tpu.memory_space<vmem>>) target(%dma_start3A_91 : memref<10112xf32, #tpu.memory_space<vmem_shared>>) offsets(%dma_start3A_89 : memref<128xi32, #tpu.memory_space<vmem>>) semaphore(%arg10 : memref<!tpu.dma_semaphore, #tpu.memory_space<semaphore_mem>>) {add = true}
      %dma_wait3A = arith.constant 0 : i32
      %dma_wait3A_92 = tpu.memref_slice %arg6[%add3A_24, %dma_wait3A] : memref<80x128xi32, #tpu.memory_space<vmem>> -> memref<1x128xi32, #tpu.memory_space<vmem>>
      %dma_wait3A_93 = tpu.memref_squeeze %dma_wait3A_92 : memref<1x128xi32, #tpu.memory_space<vmem>> -> memref<128xi32, #tpu.memory_space<vmem>>
      %dma_wait3A_94 = arith.constant 0 : i32
      %dma_wait3A_95 = tpu.memref_slice %arg9[%dma_wait3A_94] : memref<10112xf32, #tpu.memory_space<vmem_shared>> -> memref<10112xf32, #tpu.memory_space<vmem_shared>>
      tpu.wait_indirect_dma semaphore(%arg10 : memref<!tpu.dma_semaphore, #tpu.memory_space<semaphore_mem>>) src(%arg7 : memref<128xf32, #tpu.memory_space<vmem>>) dst(%dma_wait3A_95 : memref<10112xf32, #tpu.memory_space<vmem_shared>>)
      %dma_wait3A_96 = arith.constant 0 : i32
      %dma_wait3A_97 = tpu.memref_slice %arg6[%add3A_32, %dma_wait3A_96] : memref<80x128xi32, #tpu.memory_space<vmem>> -> memref<1x128xi32, #tpu.memory_space<vmem>>
      %dma_wait3A_98 = tpu.memref_squeeze %dma_wait3A_97 : memref<1x128xi32, #tpu.memory_space<vmem>> -> memref<128xi32, #tpu.memory_space<vmem>>
      %dma_wait3A_99 = arith.constant 0 : i32
      %dma_wait3A_100 = tpu.memref_slice %arg9[%dma_wait3A_99] : memref<10112xf32, #tpu.memory_space<vmem_shared>> -> memref<10112xf32, #tpu.memory_space<vmem_shared>>
      tpu.wait_indirect_dma semaphore(%arg10 : memref<!tpu.dma_semaphore, #tpu.memory_space<semaphore_mem>>) src(%arg7 : memref<128xf32, #tpu.memory_space<vmem>>) dst(%dma_wait3A_100 : memref<10112xf32, #tpu.memory_space<vmem_shared>>)
      %dma_wait3A_101 = arith.constant 0 : i32
      %dma_wait3A_102 = tpu.memref_slice %arg6[%add3A_41, %dma_wait3A_101] : memref<80x128xi32, #tpu.memory_space<vmem>> -> memref<1x128xi32, #tpu.memory_space<vmem>>
      %dma_wait3A_103 = tpu.memref_squeeze %dma_wait3A_102 : memref<1x128xi32, #tpu.memory_space<vmem>> -> memref<128xi32, #tpu.memory_space<vmem>>
      %dma_wait3A_104 = arith.constant 0 : i32
      %dma_wait3A_105 = tpu.memref_slice %arg9[%dma_wait3A_104] : memref<10112xf32, #tpu.memory_space<vmem_shared>> -> memref<10112xf32, #tpu.memory_space<vmem_shared>>
      tpu.wait_indirect_dma semaphore(%arg10 : memref<!tpu.dma_semaphore, #tpu.memory_space<semaphore_mem>>) src(%arg7 : memref<128xf32, #tpu.memory_space<vmem>>) dst(%dma_wait3A_105 : memref<10112xf32, #tpu.memory_space<vmem_shared>>)
      %dma_wait3A_106 = arith.constant 0 : i32
      %dma_wait3A_107 = tpu.memref_slice %arg6[%add3A_50, %dma_wait3A_106] : memref<80x128xi32, #tpu.memory_space<vmem>> -> memref<1x128xi32, #tpu.memory_space<vmem>>
      %dma_wait3A_108 = tpu.memref_squeeze %dma_wait3A_107 : memref<1x128xi32, #tpu.memory_space<vmem>> -> memref<128xi32, #tpu.memory_space<vmem>>
      %dma_wait3A_109 = arith.constant 0 : i32
      %dma_wait3A_110 = tpu.memref_slice %arg9[%dma_wait3A_109] : memref<10112xf32, #tpu.memory_space<vmem_shared>> -> memref<10112xf32, #tpu.memory_space<vmem_shared>>
      tpu.wait_indirect_dma semaphore(%arg10 : memref<!tpu.dma_semaphore, #tpu.memory_space<semaphore_mem>>) src(%arg7 : memref<128xf32, #tpu.memory_space<vmem>>) dst(%dma_wait3A_110 : memref<10112xf32, #tpu.memory_space<vmem_shared>>)
      %dma_wait3A_111 = arith.constant 0 : i32
      %dma_wait3A_112 = tpu.memref_slice %arg6[%add3A_59, %dma_wait3A_111] : memref<80x128xi32, #tpu.memory_space<vmem>> -> memref<1x128xi32, #tpu.memory_space<vmem>>
      %dma_wait3A_113 = tpu.memref_squeeze %dma_wait3A_112 : memref<1x128xi32, #tpu.memory_space<vmem>> -> memref<128xi32, #tpu.memory_space<vmem>>
      %dma_wait3A_114 = arith.constant 0 : i32
      %dma_wait3A_115 = tpu.memref_slice %arg9[%dma_wait3A_114] : memref<10112xf32, #tpu.memory_space<vmem_shared>> -> memref<10112xf32, #tpu.memory_space<vmem_shared>>
      tpu.wait_indirect_dma semaphore(%arg10 : memref<!tpu.dma_semaphore, #tpu.memory_space<semaphore_mem>>) src(%arg7 : memref<128xf32, #tpu.memory_space<vmem>>) dst(%dma_wait3A_115 : memref<10112xf32, #tpu.memory_space<vmem_shared>>)
      %dma_wait3A_116 = arith.constant 0 : i32
      %dma_wait3A_117 = tpu.memref_slice %arg6[%add3A_68, %dma_wait3A_116] : memref<80x128xi32, #tpu.memory_space<vmem>> -> memref<1x128xi32, #tpu.memory_space<vmem>>
      %dma_wait3A_118 = tpu.memref_squeeze %dma_wait3A_117 : memref<1x128xi32, #tpu.memory_space<vmem>> -> memref<128xi32, #tpu.memory_space<vmem>>
      %dma_wait3A_119 = arith.constant 0 : i32
      %dma_wait3A_120 = tpu.memref_slice %arg9[%dma_wait3A_119] : memref<10112xf32, #tpu.memory_space<vmem_shared>> -> memref<10112xf32, #tpu.memory_space<vmem_shared>>
      tpu.wait_indirect_dma semaphore(%arg10 : memref<!tpu.dma_semaphore, #tpu.memory_space<semaphore_mem>>) src(%arg7 : memref<128xf32, #tpu.memory_space<vmem>>) dst(%dma_wait3A_120 : memref<10112xf32, #tpu.memory_space<vmem_shared>>)
      %dma_wait3A_121 = arith.constant 0 : i32
      %dma_wait3A_122 = tpu.memref_slice %arg6[%add3A_77, %dma_wait3A_121] : memref<80x128xi32, #tpu.memory_space<vmem>> -> memref<1x128xi32, #tpu.memory_space<vmem>>
      %dma_wait3A_123 = tpu.memref_squeeze %dma_wait3A_122 : memref<1x128xi32, #tpu.memory_space<vmem>> -> memref<128xi32, #tpu.memory_space<vmem>>
      %dma_wait3A_124 = arith.constant 0 : i32
      %dma_wait3A_125 = tpu.memref_slice %arg9[%dma_wait3A_124] : memref<10112xf32, #tpu.memory_space<vmem_shared>> -> memref<10112xf32, #tpu.memory_space<vmem_shared>>
      tpu.wait_indirect_dma semaphore(%arg10 : memref<!tpu.dma_semaphore, #tpu.memory_space<semaphore_mem>>) src(%arg7 : memref<128xf32, #tpu.memory_space<vmem>>) dst(%dma_wait3A_125 : memref<10112xf32, #tpu.memory_space<vmem_shared>>)
      %dma_wait3A_126 = arith.constant 0 : i32
      %dma_wait3A_127 = tpu.memref_slice %arg6[%add3A_86, %dma_wait3A_126] : memref<80x128xi32, #tpu.memory_space<vmem>> -> memref<1x128xi32, #tpu.memory_space<vmem>>
      %dma_wait3A_128 = tpu.memref_squeeze %dma_wait3A_127 : memref<1x128xi32, #tpu.memory_space<vmem>> -> memref<128xi32, #tpu.memory_space<vmem>>
      %dma_wait3A_129 = arith.constant 0 : i32
      %dma_wait3A_130 = tpu.memref_slice %arg9[%dma_wait3A_129] : memref<10112xf32, #tpu.memory_space<vmem_shared>> -> memref<10112xf32, #tpu.memory_space<vmem_shared>>
      tpu.wait_indirect_dma semaphore(%arg10 : memref<!tpu.dma_semaphore, #tpu.memory_space<semaphore_mem>>) src(%arg7 : memref<128xf32, #tpu.memory_space<vmem>>) dst(%dma_wait3A_130 : memref<10112xf32, #tpu.memory_space<vmem_shared>>)
    }
    %scan3A_11 = arith.constant 10 : i32
    %barrier3A_12 = arith.constant 0 : index
    tpu.barrier barrier_id(%barrier3A_12)
    %mul3A_13 = arith.constant 632 : i32
    %mul3A_14 = arith.muli %arg1, %mul3A_13 : i32
    "tpu.region"() ({
      %run_scoped3A = tpu.sem_alloc : memref<!tpu.dma_semaphore, #tpu.memory_space<semaphore_mem>>
      %dma_start3A = tpu.memref_slice %arg9[%mul3A_14] : memref<10112xf32, #tpu.memory_space<vmem_shared>> -> memref<632xf32, #tpu.memory_space<vmem_shared>>
      %dma_start3A_20 = tpu.memref_slice %arg9[%mul3A_14] : memref<10112xf32, #tpu.memory_space<vmem_shared>> -> memref<632xf32, #tpu.memory_space<vmem_shared>>
      tpu.enqueue_dma source(%dma_start3A_20 : memref<632xf32, #tpu.memory_space<vmem_shared>>) target(%arg8 : memref<632xf32, #tpu.memory_space<vmem>>) target_semaphore(%run_scoped3A : memref<!tpu.dma_semaphore, #tpu.memory_space<semaphore_mem>>)
      %dma_wait3A = tpu.memref_slice %arg9[%mul3A_14] : memref<10112xf32, #tpu.memory_space<vmem_shared>> -> memref<632xf32, #tpu.memory_space<vmem_shared>>
      %dma_wait3A_21 = tpu.memref_slice %arg9[%mul3A_14] : memref<10112xf32, #tpu.memory_space<vmem_shared>> -> memref<632xf32, #tpu.memory_space<vmem_shared>>
      tpu.wait_dma2 semaphore(%run_scoped3A : memref<!tpu.dma_semaphore, #tpu.memory_space<semaphore_mem>>) src(%dma_wait3A_21 : memref<632xf32, #tpu.memory_space<vmem_shared>>) dst(%arg8 : memref<632xf32, #tpu.memory_space<vmem>>)
      tpu.yield
    }) : () -> ()
    %mul3A_15 = arith.constant 10112 : i32
    %mul3A_16 = arith.muli %arg0, %mul3A_15 : i32
    %mul3A_17 = arith.constant 632 : i32
    %mul3A_18 = arith.muli %arg1, %mul3A_17 : i32
    %add3A_19 = arith.addi %mul3A_16, %mul3A_18 : i32
    "tpu.region"() ({
      %run_scoped3A = tpu.sem_alloc : memref<!tpu.dma_semaphore, #tpu.memory_space<semaphore_mem>>
      %dma_start3A = tpu.memref_slice %arg5[%add3A_19] : memref<20224xf32, #tpu.memory_space<hbm>> -> memref<632xf32, #tpu.memory_space<hbm>>
      %dma_start3A_20 = tpu.memref_slice %arg5[%add3A_19] : memref<20224xf32, #tpu.memory_space<hbm>> -> memref<632xf32, #tpu.memory_space<hbm>>
      tpu.enqueue_dma source(%arg8 : memref<632xf32, #tpu.memory_space<vmem>>) target(%dma_start3A_20 : memref<632xf32, #tpu.memory_space<hbm>>) target_semaphore(%run_scoped3A : memref<!tpu.dma_semaphore, #tpu.memory_space<semaphore_mem>>)
      %dma_wait3A = tpu.memref_slice %arg5[%add3A_19] : memref<20224xf32, #tpu.memory_space<hbm>> -> memref<632xf32, #tpu.memory_space<hbm>>
      %dma_wait3A_21 = tpu.memref_slice %arg5[%add3A_19] : memref<20224xf32, #tpu.memory_space<hbm>> -> memref<632xf32, #tpu.memory_space<hbm>>
      tpu.wait_dma2 semaphore(%run_scoped3A : memref<!tpu.dma_semaphore, #tpu.memory_space<semaphore_mem>>) src(%arg8 : memref<632xf32, #tpu.memory_space<vmem>>) dst(%dma_wait3A_21 : memref<632xf32, #tpu.memory_space<hbm>>)
      tpu.yield
    }) : () -> ()
    return
  }
}

#map = affine_map<(d0, d1) -> (0)>
#map1 = affine_map<(d0, d1) -> (0, 0)>
#map2 = affine_map<(d0, d1) -> (0, 0, 0)>
module attributes {stable_mosaic.version = 14 : i64} {
  func.func @k(%arg0: i32, %arg1: i32, %arg2: memref<327680xi32, #tpu.memory_space<hbm>>, %arg3: memref<2560x128xi32, #tpu.memory_space<hbm>>, %arg4: memref<10112x16xf32, #tpu.memory_space<hbm>>, %arg5: memref<10112x16xf32, #tpu.memory_space<hbm>>, %arg6: memref<2x10112x16xf32, #tpu.memory_space<hbm>>, %arg7: memref<10240xi32, #tpu.memory_space<vmem>>, %arg8: memref<80x128xi32, #tpu.memory_space<vmem>>, %arg9: memref<128x16xf32, #tpu.memory_space<vmem>>, %arg10: memref<128x16xf32, #tpu.memory_space<vmem>>, %arg11: memref<128x16xf32, #tpu.memory_space<vmem>>, %arg12: memref<128x16xf32, #tpu.memory_space<vmem>>, %arg13: memref<632x16xf32, #tpu.memory_space<vmem>>, %arg14: memref<10112x16xf32, #tpu.memory_space<vmem_shared>>, %arg15: memref<!tpu.dma_semaphore, #tpu.memory_space<semaphore_mem>>, %arg16: memref<!tpu.dma_semaphore, #tpu.memory_space<semaphore_mem>>, %arg17: memref<!tpu.dma_semaphore, #tpu.memory_space<semaphore_mem>>, %arg18: memref<!tpu.dma_semaphore, #tpu.memory_space<semaphore_mem>>) attributes {dimension_semantics = [#tpu.dimension_semantics<core_parallel>, #tpu.dimension_semantics<subcore_parallel>], iteration_bounds = array<i64: 2, 16>, scalar_prefetch = 0 : i64, scratch_operands = 12 : i64, tpu.core_type = #tpu.core_type<sc_vector_subcore>, window_params = [{transform_indices = #map}, {transform_indices = #map1}, {transform_indices = #map1}, {transform_indices = #map1}, {transform_indices = #map2}]} {
    %mul3A = arith.constant 16 : i32
    %mul3A_0 = arith.muli %arg0, %mul3A : i32
    %add3A = arith.addi %mul3A_0, %arg1 : i32
    %mul3A_1 = arith.constant 10240 : i32
    %mul3A_2 = arith.muli %add3A, %mul3A_1 : i32
    "tpu.region"() ({
      %run_scoped3A_60 = tpu.sem_alloc : memref<!tpu.dma_semaphore, #tpu.memory_space<semaphore_mem>>
      %dma_start3A_61 = tpu.memref_slice %arg2[%mul3A_2] : memref<327680xi32, #tpu.memory_space<hbm>> -> memref<10240xi32, #tpu.memory_space<hbm>>
      %dma_start3A_62 = tpu.memref_slice %arg2[%mul3A_2] : memref<327680xi32, #tpu.memory_space<hbm>> -> memref<10240xi32, #tpu.memory_space<hbm>>
      tpu.enqueue_dma source(%dma_start3A_62 : memref<10240xi32, #tpu.memory_space<hbm>>) target(%arg7 : memref<10240xi32, #tpu.memory_space<vmem>>) target_semaphore(%run_scoped3A_60 : memref<!tpu.dma_semaphore, #tpu.memory_space<semaphore_mem>>)
      %dma_wait3A_63 = tpu.memref_slice %arg2[%mul3A_2] : memref<327680xi32, #tpu.memory_space<hbm>> -> memref<10240xi32, #tpu.memory_space<hbm>>
      %dma_wait3A_64 = tpu.memref_slice %arg2[%mul3A_2] : memref<327680xi32, #tpu.memory_space<hbm>> -> memref<10240xi32, #tpu.memory_space<hbm>>
      tpu.wait_dma2 semaphore(%run_scoped3A_60 : memref<!tpu.dma_semaphore, #tpu.memory_space<semaphore_mem>>) src(%dma_wait3A_64 : memref<10240xi32, #tpu.memory_space<hbm>>) dst(%arg7 : memref<10240xi32, #tpu.memory_space<vmem>>)
      tpu.yield
    }) : () -> ()
    %mul3A_3 = arith.constant 80 : i32
    %mul3A_4 = arith.muli %add3A, %mul3A_3 : i32
    "tpu.region"() ({
      %run_scoped3A_60 = tpu.sem_alloc : memref<!tpu.dma_semaphore, #tpu.memory_space<semaphore_mem>>
      %dma_start3A_61 = arith.constant 0 : i32
      %dma_start3A_62 = tpu.memref_slice %arg3[%mul3A_4, %dma_start3A_61] : memref<2560x128xi32, #tpu.memory_space<hbm>> -> memref<80x128xi32, #tpu.memory_space<hbm>>
      %dma_start3A_63 = arith.constant 0 : i32
      %dma_start3A_64 = tpu.memref_slice %arg3[%mul3A_4, %dma_start3A_63] : memref<2560x128xi32, #tpu.memory_space<hbm>> -> memref<80x128xi32, #tpu.memory_space<hbm>>
      tpu.enqueue_dma source(%dma_start3A_64 : memref<80x128xi32, #tpu.memory_space<hbm>>) target(%arg8 : memref<80x128xi32, #tpu.memory_space<vmem>>) target_semaphore(%run_scoped3A_60 : memref<!tpu.dma_semaphore, #tpu.memory_space<semaphore_mem>>)
      %dma_wait3A_65 = arith.constant 0 : i32
      %dma_wait3A_66 = tpu.memref_slice %arg3[%mul3A_4, %dma_wait3A_65] : memref<2560x128xi32, #tpu.memory_space<hbm>> -> memref<80x128xi32, #tpu.memory_space<hbm>>
      %dma_wait3A_67 = arith.constant 0 : i32
      %dma_wait3A_68 = tpu.memref_slice %arg3[%mul3A_4, %dma_wait3A_67] : memref<2560x128xi32, #tpu.memory_space<hbm>> -> memref<80x128xi32, #tpu.memory_space<hbm>>
      tpu.wait_dma2 semaphore(%run_scoped3A_60 : memref<!tpu.dma_semaphore, #tpu.memory_space<semaphore_mem>>) src(%dma_wait3A_68 : memref<80x128xi32, #tpu.memory_space<hbm>>) dst(%arg8 : memref<80x128xi32, #tpu.memory_space<vmem>>)
      tpu.yield
    }) : () -> ()
    %mul3A_5 = arith.constant 632 : i32
    %mul3A_6 = arith.muli %arg1, %mul3A_5 : i32
    "tpu.region"() ({
      %run_scoped3A_60 = tpu.sem_alloc : memref<!tpu.dma_semaphore, #tpu.memory_space<semaphore_mem>>
      %dma_start3A_61 = arith.constant 0 : i32
      %dma_start3A_62 = tpu.memref_slice %arg5[%mul3A_6, %dma_start3A_61] : memref<10112x16xf32, #tpu.memory_space<hbm>> -> memref<632x16xf32, #tpu.memory_space<hbm>>
      %dma_start3A_63 = arith.constant 0 : i32
      %dma_start3A_64 = tpu.memref_slice %arg5[%mul3A_6, %dma_start3A_63] : memref<10112x16xf32, #tpu.memory_space<hbm>> -> memref<632x16xf32, #tpu.memory_space<hbm>>
      tpu.enqueue_dma source(%dma_start3A_64 : memref<632x16xf32, #tpu.memory_space<hbm>>) target(%arg13 : memref<632x16xf32, #tpu.memory_space<vmem>>) target_semaphore(%run_scoped3A_60 : memref<!tpu.dma_semaphore, #tpu.memory_space<semaphore_mem>>)
      %dma_wait3A_65 = arith.constant 0 : i32
      %dma_wait3A_66 = tpu.memref_slice %arg5[%mul3A_6, %dma_wait3A_65] : memref<10112x16xf32, #tpu.memory_space<hbm>> -> memref<632x16xf32, #tpu.memory_space<hbm>>
      %dma_wait3A_67 = arith.constant 0 : i32
      %dma_wait3A_68 = tpu.memref_slice %arg5[%mul3A_6, %dma_wait3A_67] : memref<10112x16xf32, #tpu.memory_space<hbm>> -> memref<632x16xf32, #tpu.memory_space<hbm>>
      tpu.wait_dma2 semaphore(%run_scoped3A_60 : memref<!tpu.dma_semaphore, #tpu.memory_space<semaphore_mem>>) src(%dma_wait3A_68 : memref<632x16xf32, #tpu.memory_space<hbm>>) dst(%arg13 : memref<632x16xf32, #tpu.memory_space<vmem>>)
      tpu.yield
    }) : () -> ()
    %mul3A_7 = arith.constant 632 : i32
    %mul3A_8 = arith.muli %arg1, %mul3A_7 : i32
    "tpu.region"() ({
      %run_scoped3A_60 = tpu.sem_alloc : memref<!tpu.dma_semaphore, #tpu.memory_space<semaphore_mem>>
      %dma_start3A_61 = arith.constant 0 : i32
      %dma_start3A_62 = tpu.memref_slice %arg14[%mul3A_8, %dma_start3A_61] : memref<10112x16xf32, #tpu.memory_space<vmem_shared>> -> memref<632x16xf32, #tpu.memory_space<vmem_shared>>
      %dma_start3A_63 = arith.constant 0 : i32
      %dma_start3A_64 = tpu.memref_slice %arg14[%mul3A_8, %dma_start3A_63] : memref<10112x16xf32, #tpu.memory_space<vmem_shared>> -> memref<632x16xf32, #tpu.memory_space<vmem_shared>>
      tpu.enqueue_dma source(%arg13 : memref<632x16xf32, #tpu.memory_space<vmem>>) target(%dma_start3A_64 : memref<632x16xf32, #tpu.memory_space<vmem_shared>>) target_semaphore(%run_scoped3A_60 : memref<!tpu.dma_semaphore, #tpu.memory_space<semaphore_mem>>)
      %dma_wait3A_65 = arith.constant 0 : i32
      %dma_wait3A_66 = tpu.memref_slice %arg14[%mul3A_8, %dma_wait3A_65] : memref<10112x16xf32, #tpu.memory_space<vmem_shared>> -> memref<632x16xf32, #tpu.memory_space<vmem_shared>>
      %dma_wait3A_67 = arith.constant 0 : i32
      %dma_wait3A_68 = tpu.memref_slice %arg14[%mul3A_8, %dma_wait3A_67] : memref<10112x16xf32, #tpu.memory_space<vmem_shared>> -> memref<632x16xf32, #tpu.memory_space<vmem_shared>>
      tpu.wait_dma2 semaphore(%run_scoped3A_60 : memref<!tpu.dma_semaphore, #tpu.memory_space<semaphore_mem>>) src(%arg13 : memref<632x16xf32, #tpu.memory_space<vmem>>) dst(%dma_wait3A_68 : memref<632x16xf32, #tpu.memory_space<vmem_shared>>)
      tpu.yield
    }) : () -> ()
    %barrier3A = arith.constant 0 : index
    tpu.barrier barrier_id(%barrier3A)
    %dma_start3A = arith.constant 0 : i32
    %dma_start3A_9 = tpu.memref_slice %arg7[%dma_start3A] : memref<10240xi32, #tpu.memory_space<vmem>> -> memref<128xi32, #tpu.memory_space<vmem>>
    %dma_start3A_10 = arith.constant 0 : i32
    %dma_start3A_11 = arith.constant 0 : i32
    %dma_start3A_12 = tpu.memref_slice %arg4[%dma_start3A_10, %dma_start3A_11] : memref<10112x16xf32, #tpu.memory_space<hbm>> -> memref<10112x16xf32, #tpu.memory_space<hbm>>
    tpu.enqueue_indirect_dma source(%dma_start3A_12 : memref<10112x16xf32, #tpu.memory_space<hbm>>) target(%arg9 : memref<128x16xf32, #tpu.memory_space<vmem>>) offsets(%dma_start3A_9 : memref<128xi32, #tpu.memory_space<vmem>>) semaphore(%arg15 : memref<!tpu.dma_semaphore, #tpu.memory_space<semaphore_mem>>)
    %dma_start3A_13 = arith.constant 128 : i32
    %dma_start3A_14 = tpu.memref_slice %arg7[%dma_start3A_13] : memref<10240xi32, #tpu.memory_space<vmem>> -> memref<128xi32, #tpu.memory_space<vmem>>
    %dma_start3A_15 = arith.constant 0 : i32
    %dma_start3A_16 = arith.constant 0 : i32
    %dma_start3A_17 = tpu.memref_slice %arg4[%dma_start3A_15, %dma_start3A_16] : memref<10112x16xf32, #tpu.memory_space<hbm>> -> memref<10112x16xf32, #tpu.memory_space<hbm>>
    tpu.enqueue_indirect_dma source(%dma_start3A_17 : memref<10112x16xf32, #tpu.memory_space<hbm>>) target(%arg10 : memref<128x16xf32, #tpu.memory_space<vmem>>) offsets(%dma_start3A_14 : memref<128xi32, #tpu.memory_space<vmem>>) semaphore(%arg16 : memref<!tpu.dma_semaphore, #tpu.memory_space<semaphore_mem>>)
    %dma_start3A_18 = arith.constant 256 : i32
    %dma_start3A_19 = tpu.memref_slice %arg7[%dma_start3A_18] : memref<10240xi32, #tpu.memory_space<vmem>> -> memref<128xi32, #tpu.memory_space<vmem>>
    %dma_start3A_20 = arith.constant 0 : i32
    %dma_start3A_21 = arith.constant 0 : i32
    %dma_start3A_22 = tpu.memref_slice %arg4[%dma_start3A_20, %dma_start3A_21] : memref<10112x16xf32, #tpu.memory_space<hbm>> -> memref<10112x16xf32, #tpu.memory_space<hbm>>
    tpu.enqueue_indirect_dma source(%dma_start3A_22 : memref<10112x16xf32, #tpu.memory_space<hbm>>) target(%arg11 : memref<128x16xf32, #tpu.memory_space<vmem>>) offsets(%dma_start3A_19 : memref<128xi32, #tpu.memory_space<vmem>>) semaphore(%arg17 : memref<!tpu.dma_semaphore, #tpu.memory_space<semaphore_mem>>)
    %dma_start3A_23 = arith.constant 384 : i32
    %dma_start3A_24 = tpu.memref_slice %arg7[%dma_start3A_23] : memref<10240xi32, #tpu.memory_space<vmem>> -> memref<128xi32, #tpu.memory_space<vmem>>
    %dma_start3A_25 = arith.constant 0 : i32
    %dma_start3A_26 = arith.constant 0 : i32
    %dma_start3A_27 = tpu.memref_slice %arg4[%dma_start3A_25, %dma_start3A_26] : memref<10112x16xf32, #tpu.memory_space<hbm>> -> memref<10112x16xf32, #tpu.memory_space<hbm>>
    tpu.enqueue_indirect_dma source(%dma_start3A_27 : memref<10112x16xf32, #tpu.memory_space<hbm>>) target(%arg12 : memref<128x16xf32, #tpu.memory_space<vmem>>) offsets(%dma_start3A_24 : memref<128xi32, #tpu.memory_space<vmem>>) semaphore(%arg18 : memref<!tpu.dma_semaphore, #tpu.memory_space<semaphore_mem>>)
    %scan3A = arith.constant 0 : i32
    %scan3A_28 = arith.constant 0 : i32
    %scan3A_29 = arith.constant 19 : i32
    %scan3A_30 = arith.addi %scan3A_28, %scan3A_29 : i32
    %scan3A_31 = arith.constant 1 : i32
    scf.for %scan3A_60 = %scan3A_28 to %scan3A_30 step %scan3A_31  : i32 {
      %mul3A_61 = arith.constant 4 : i32
      %mul3A_62 = arith.muli %scan3A_60, %mul3A_61 : i32
      %dma_wait3A_63 = arith.constant 0 : i32
      %dma_wait3A_64 = tpu.memref_slice %arg7[%dma_wait3A_63] : memref<10240xi32, #tpu.memory_space<vmem>> -> memref<128xi32, #tpu.memory_space<vmem>>
      %dma_wait3A_65 = arith.constant 0 : i32
      %dma_wait3A_66 = arith.constant 0 : i32
      %dma_wait3A_67 = tpu.memref_slice %arg4[%dma_wait3A_65, %dma_wait3A_66] : memref<10112x16xf32, #tpu.memory_space<hbm>> -> memref<10112x16xf32, #tpu.memory_space<hbm>>
      tpu.wait_indirect_dma semaphore(%arg15 : memref<!tpu.dma_semaphore, #tpu.memory_space<semaphore_mem>>) src(%dma_wait3A_67 : memref<10112x16xf32, #tpu.memory_space<hbm>>) dst(%arg9 : memref<128x16xf32, #tpu.memory_space<vmem>>)
      %add3A_68 = arith.constant 0 : i32
      %add3A_69 = arith.addi %mul3A_62, %add3A_68 : i32
      "tpu.region"() ({
        %run_scoped3A_131 = tpu.sem_alloc : memref<!tpu.dma_semaphore, #tpu.memory_space<semaphore_mem>>
        %dma_start3A_132 = arith.constant 0 : i32
        %dma_start3A_133 = tpu.memref_slice %arg8[%add3A_69, %dma_start3A_132] : memref<80x128xi32, #tpu.memory_space<vmem>> -> memref<1x128xi32, #tpu.memory_space<vmem>>
        %dma_start3A_134 = tpu.memref_squeeze %dma_start3A_133 : memref<1x128xi32, #tpu.memory_space<vmem>> -> memref<128xi32, #tpu.memory_space<vmem>>
        %dma_start3A_135 = arith.constant 0 : i32
        %dma_start3A_136 = arith.constant 0 : i32
        %dma_start3A_137 = tpu.memref_slice %arg14[%dma_start3A_135, %dma_start3A_136] : memref<10112x16xf32, #tpu.memory_space<vmem_shared>> -> memref<10112x16xf32, #tpu.memory_space<vmem_shared>>
        tpu.enqueue_indirect_dma source(%arg9 : memref<128x16xf32, #tpu.memory_space<vmem>>) target(%dma_start3A_137 : memref<10112x16xf32, #tpu.memory_space<vmem_shared>>) offsets(%dma_start3A_134 : memref<128xi32, #tpu.memory_space<vmem>>) semaphore(%run_scoped3A_131 : memref<!tpu.dma_semaphore, #tpu.memory_space<semaphore_mem>>) {add = true}
        %dma_wait3A_138 = arith.constant 0 : i32
        %dma_wait3A_139 = tpu.memref_slice %arg8[%add3A_69, %dma_wait3A_138] : memref<80x128xi32, #tpu.memory_space<vmem>> -> memref<1x128xi32, #tpu.memory_space<vmem>>
        %dma_wait3A_140 = tpu.memref_squeeze %dma_wait3A_139 : memref<1x128xi32, #tpu.memory_space<vmem>> -> memref<128xi32, #tpu.memory_space<vmem>>
        %dma_wait3A_141 = arith.constant 0 : i32
        %dma_wait3A_142 = arith.constant 0 : i32
        %dma_wait3A_143 = tpu.memref_slice %arg14[%dma_wait3A_141, %dma_wait3A_142] : memref<10112x16xf32, #tpu.memory_space<vmem_shared>> -> memref<10112x16xf32, #tpu.memory_space<vmem_shared>>
        tpu.wait_indirect_dma semaphore(%run_scoped3A_131 : memref<!tpu.dma_semaphore, #tpu.memory_space<semaphore_mem>>) src(%arg9 : memref<128x16xf32, #tpu.memory_space<vmem>>) dst(%dma_wait3A_143 : memref<10112x16xf32, #tpu.memory_space<vmem_shared>>)
        tpu.yield
      }) : () -> ()
      %add3A_70 = arith.constant 4 : i32
      %add3A_71 = arith.addi %mul3A_62, %add3A_70 : i32
      %add3A_72 = arith.constant 0 : i32
      %add3A_73 = arith.addi %add3A_71, %add3A_72 : i32
      %mul3A_74 = arith.constant 128 : i32
      %mul3A_75 = arith.muli %add3A_73, %mul3A_74 : i32
      %dma_start3A_76 = tpu.memref_slice %arg7[%mul3A_75] : memref<10240xi32, #tpu.memory_space<vmem>> -> memref<128xi32, #tpu.memory_space<vmem>>
      %dma_start3A_77 = arith.constant 0 : i32
      %dma_start3A_78 = arith.constant 0 : i32
      %dma_start3A_79 = tpu.memref_slice %arg4[%dma_start3A_77, %dma_start3A_78] : memref<10112x16xf32, #tpu.memory_space<hbm>> -> memref<10112x16xf32, #tpu.memory_space<hbm>>
      tpu.enqueue_indirect_dma source(%dma_start3A_79 : memref<10112x16xf32, #tpu.memory_space<hbm>>) target(%arg9 : memref<128x16xf32, #tpu.memory_space<vmem>>) offsets(%dma_start3A_76 : memref<128xi32, #tpu.memory_space<vmem>>) semaphore(%arg15 : memref<!tpu.dma_semaphore, #tpu.memory_space<semaphore_mem>>)
      %dma_wait3A_80 = arith.constant 0 : i32
      %dma_wait3A_81 = tpu.memref_slice %arg7[%dma_wait3A_80] : memref<10240xi32, #tpu.memory_space<vmem>> -> memref<128xi32, #tpu.memory_space<vmem>>
      %dma_wait3A_82 = arith.constant 0 : i32
      %dma_wait3A_83 = arith.constant 0 : i32
      %dma_wait3A_84 = tpu.memref_slice %arg4[%dma_wait3A_82, %dma_wait3A_83] : memref<10112x16xf32, #tpu.memory_space<hbm>> -> memref<10112x16xf32, #tpu.memory_space<hbm>>
      tpu.wait_indirect_dma semaphore(%arg16 : memref<!tpu.dma_semaphore, #tpu.memory_space<semaphore_mem>>) src(%dma_wait3A_84 : memref<10112x16xf32, #tpu.memory_space<hbm>>) dst(%arg10 : memref<128x16xf32, #tpu.memory_space<vmem>>)
      %add3A_85 = arith.constant 1 : i32
      %add3A_86 = arith.addi %mul3A_62, %add3A_85 : i32
      "tpu.region"() ({
        %run_scoped3A_131 = tpu.sem_alloc : memref<!tpu.dma_semaphore, #tpu.memory_space<semaphore_mem>>
        %dma_start3A_132 = arith.constant 0 : i32
        %dma_start3A_133 = tpu.memref_slice %arg8[%add3A_86, %dma_start3A_132] : memref<80x128xi32, #tpu.memory_space<vmem>> -> memref<1x128xi32, #tpu.memory_space<vmem>>
        %dma_start3A_134 = tpu.memref_squeeze %dma_start3A_133 : memref<1x128xi32, #tpu.memory_space<vmem>> -> memref<128xi32, #tpu.memory_space<vmem>>
        %dma_start3A_135 = arith.constant 0 : i32
        %dma_start3A_136 = arith.constant 0 : i32
        %dma_start3A_137 = tpu.memref_slice %arg14[%dma_start3A_135, %dma_start3A_136] : memref<10112x16xf32, #tpu.memory_space<vmem_shared>> -> memref<10112x16xf32, #tpu.memory_space<vmem_shared>>
        tpu.enqueue_indirect_dma source(%arg10 : memref<128x16xf32, #tpu.memory_space<vmem>>) target(%dma_start3A_137 : memref<10112x16xf32, #tpu.memory_space<vmem_shared>>) offsets(%dma_start3A_134 : memref<128xi32, #tpu.memory_space<vmem>>) semaphore(%run_scoped3A_131 : memref<!tpu.dma_semaphore, #tpu.memory_space<semaphore_mem>>) {add = true}
        %dma_wait3A_138 = arith.constant 0 : i32
        %dma_wait3A_139 = tpu.memref_slice %arg8[%add3A_86, %dma_wait3A_138] : memref<80x128xi32, #tpu.memory_space<vmem>> -> memref<1x128xi32, #tpu.memory_space<vmem>>
        %dma_wait3A_140 = tpu.memref_squeeze %dma_wait3A_139 : memref<1x128xi32, #tpu.memory_space<vmem>> -> memref<128xi32, #tpu.memory_space<vmem>>
        %dma_wait3A_141 = arith.constant 0 : i32
        %dma_wait3A_142 = arith.constant 0 : i32
        %dma_wait3A_143 = tpu.memref_slice %arg14[%dma_wait3A_141, %dma_wait3A_142] : memref<10112x16xf32, #tpu.memory_space<vmem_shared>> -> memref<10112x16xf32, #tpu.memory_space<vmem_shared>>
        tpu.wait_indirect_dma semaphore(%run_scoped3A_131 : memref<!tpu.dma_semaphore, #tpu.memory_space<semaphore_mem>>) src(%arg10 : memref<128x16xf32, #tpu.memory_space<vmem>>) dst(%dma_wait3A_143 : memref<10112x16xf32, #tpu.memory_space<vmem_shared>>)
        tpu.yield
      }) : () -> ()
      %add3A_87 = arith.constant 4 : i32
      %add3A_88 = arith.addi %mul3A_62, %add3A_87 : i32
      %add3A_89 = arith.constant 1 : i32
      %add3A_90 = arith.addi %add3A_88, %add3A_89 : i32
      %mul3A_91 = arith.constant 128 : i32
      %mul3A_92 = arith.muli %add3A_90, %mul3A_91 : i32
      %dma_start3A_93 = tpu.memref_slice %arg7[%mul3A_92] : memref<10240xi32, #tpu.memory_space<vmem>> -> memref<128xi32, #tpu.memory_space<vmem>>
      %dma_start3A_94 = arith.constant 0 : i32
      %dma_start3A_95 = arith.constant 0 : i32
      %dma_start3A_96 = tpu.memref_slice %arg4[%dma_start3A_94, %dma_start3A_95] : memref<10112x16xf32, #tpu.memory_space<hbm>> -> memref<10112x16xf32, #tpu.memory_space<hbm>>
      tpu.enqueue_indirect_dma source(%dma_start3A_96 : memref<10112x16xf32, #tpu.memory_space<hbm>>) target(%arg10 : memref<128x16xf32, #tpu.memory_space<vmem>>) offsets(%dma_start3A_93 : memref<128xi32, #tpu.memory_space<vmem>>) semaphore(%arg16 : memref<!tpu.dma_semaphore, #tpu.memory_space<semaphore_mem>>)
      %dma_wait3A_97 = arith.constant 0 : i32
      %dma_wait3A_98 = tpu.memref_slice %arg7[%dma_wait3A_97] : memref<10240xi32, #tpu.memory_space<vmem>> -> memref<128xi32, #tpu.memory_space<vmem>>
      %dma_wait3A_99 = arith.constant 0 : i32
      %dma_wait3A_100 = arith.constant 0 : i32
      %dma_wait3A_101 = tpu.memref_slice %arg4[%dma_wait3A_99, %dma_wait3A_100] : memref<10112x16xf32, #tpu.memory_space<hbm>> -> memref<10112x16xf32, #tpu.memory_space<hbm>>
      tpu.wait_indirect_dma semaphore(%arg17 : memref<!tpu.dma_semaphore, #tpu.memory_space<semaphore_mem>>) src(%dma_wait3A_101 : memref<10112x16xf32, #tpu.memory_space<hbm>>) dst(%arg11 : memref<128x16xf32, #tpu.memory_space<vmem>>)
      %add3A_102 = arith.constant 2 : i32
      %add3A_103 = arith.addi %mul3A_62, %add3A_102 : i32
      "tpu.region"() ({
        %run_scoped3A_131 = tpu.sem_alloc : memref<!tpu.dma_semaphore, #tpu.memory_space<semaphore_mem>>
        %dma_start3A_132 = arith.constant 0 : i32
        %dma_start3A_133 = tpu.memref_slice %arg8[%add3A_103, %dma_start3A_132] : memref<80x128xi32, #tpu.memory_space<vmem>> -> memref<1x128xi32, #tpu.memory_space<vmem>>
        %dma_start3A_134 = tpu.memref_squeeze %dma_start3A_133 : memref<1x128xi32, #tpu.memory_space<vmem>> -> memref<128xi32, #tpu.memory_space<vmem>>
        %dma_start3A_135 = arith.constant 0 : i32
        %dma_start3A_136 = arith.constant 0 : i32
        %dma_start3A_137 = tpu.memref_slice %arg14[%dma_start3A_135, %dma_start3A_136] : memref<10112x16xf32, #tpu.memory_space<vmem_shared>> -> memref<10112x16xf32, #tpu.memory_space<vmem_shared>>
        tpu.enqueue_indirect_dma source(%arg11 : memref<128x16xf32, #tpu.memory_space<vmem>>) target(%dma_start3A_137 : memref<10112x16xf32, #tpu.memory_space<vmem_shared>>) offsets(%dma_start3A_134 : memref<128xi32, #tpu.memory_space<vmem>>) semaphore(%run_scoped3A_131 : memref<!tpu.dma_semaphore, #tpu.memory_space<semaphore_mem>>) {add = true}
        %dma_wait3A_138 = arith.constant 0 : i32
        %dma_wait3A_139 = tpu.memref_slice %arg8[%add3A_103, %dma_wait3A_138] : memref<80x128xi32, #tpu.memory_space<vmem>> -> memref<1x128xi32, #tpu.memory_space<vmem>>
        %dma_wait3A_140 = tpu.memref_squeeze %dma_wait3A_139 : memref<1x128xi32, #tpu.memory_space<vmem>> -> memref<128xi32, #tpu.memory_space<vmem>>
        %dma_wait3A_141 = arith.constant 0 : i32
        %dma_wait3A_142 = arith.constant 0 : i32
        %dma_wait3A_143 = tpu.memref_slice %arg14[%dma_wait3A_141, %dma_wait3A_142] : memref<10112x16xf32, #tpu.memory_space<vmem_shared>> -> memref<10112x16xf32, #tpu.memory_space<vmem_shared>>
        tpu.wait_indirect_dma semaphore(%run_scoped3A_131 : memref<!tpu.dma_semaphore, #tpu.memory_space<semaphore_mem>>) src(%arg11 : memref<128x16xf32, #tpu.memory_space<vmem>>) dst(%dma_wait3A_143 : memref<10112x16xf32, #tpu.memory_space<vmem_shared>>)
        tpu.yield
      }) : () -> ()
      %add3A_104 = arith.constant 4 : i32
      %add3A_105 = arith.addi %mul3A_62, %add3A_104 : i32
      %add3A_106 = arith.constant 2 : i32
      %add3A_107 = arith.addi %add3A_105, %add3A_106 : i32
      %mul3A_108 = arith.constant 128 : i32
      %mul3A_109 = arith.muli %add3A_107, %mul3A_108 : i32
      %dma_start3A_110 = tpu.memref_slice %arg7[%mul3A_109] : memref<10240xi32, #tpu.memory_space<vmem>> -> memref<128xi32, #tpu.memory_space<vmem>>
      %dma_start3A_111 = arith.constant 0 : i32
      %dma_start3A_112 = arith.constant 0 : i32
      %dma_start3A_113 = tpu.memref_slice %arg4[%dma_start3A_111, %dma_start3A_112] : memref<10112x16xf32, #tpu.memory_space<hbm>> -> memref<10112x16xf32, #tpu.memory_space<hbm>>
      tpu.enqueue_indirect_dma source(%dma_start3A_113 : memref<10112x16xf32, #tpu.memory_space<hbm>>) target(%arg11 : memref<128x16xf32, #tpu.memory_space<vmem>>) offsets(%dma_start3A_110 : memref<128xi32, #tpu.memory_space<vmem>>) semaphore(%arg17 : memref<!tpu.dma_semaphore, #tpu.memory_space<semaphore_mem>>)
      %dma_wait3A_114 = arith.constant 0 : i32
      %dma_wait3A_115 = tpu.memref_slice %arg7[%dma_wait3A_114] : memref<10240xi32, #tpu.memory_space<vmem>> -> memref<128xi32, #tpu.memory_space<vmem>>
      %dma_wait3A_116 = arith.constant 0 : i32
      %dma_wait3A_117 = arith.constant 0 : i32
      %dma_wait3A_118 = tpu.memref_slice %arg4[%dma_wait3A_116, %dma_wait3A_117] : memref<10112x16xf32, #tpu.memory_space<hbm>> -> memref<10112x16xf32, #tpu.memory_space<hbm>>
      tpu.wait_indirect_dma semaphore(%arg18 : memref<!tpu.dma_semaphore, #tpu.memory_space<semaphore_mem>>) src(%dma_wait3A_118 : memref<10112x16xf32, #tpu.memory_space<hbm>>) dst(%arg12 : memref<128x16xf32, #tpu.memory_space<vmem>>)
      %add3A_119 = arith.constant 3 : i32
      %add3A_120 = arith.addi %mul3A_62, %add3A_119 : i32
      "tpu.region"() ({
        %run_scoped3A_131 = tpu.sem_alloc : memref<!tpu.dma_semaphore, #tpu.memory_space<semaphore_mem>>
        %dma_start3A_132 = arith.constant 0 : i32
        %dma_start3A_133 = tpu.memref_slice %arg8[%add3A_120, %dma_start3A_132] : memref<80x128xi32, #tpu.memory_space<vmem>> -> memref<1x128xi32, #tpu.memory_space<vmem>>
        %dma_start3A_134 = tpu.memref_squeeze %dma_start3A_133 : memref<1x128xi32, #tpu.memory_space<vmem>> -> memref<128xi32, #tpu.memory_space<vmem>>
        %dma_start3A_135 = arith.constant 0 : i32
        %dma_start3A_136 = arith.constant 0 : i32
        %dma_start3A_137 = tpu.memref_slice %arg14[%dma_start3A_135, %dma_start3A_136] : memref<10112x16xf32, #tpu.memory_space<vmem_shared>> -> memref<10112x16xf32, #tpu.memory_space<vmem_shared>>
        tpu.enqueue_indirect_dma source(%arg12 : memref<128x16xf32, #tpu.memory_space<vmem>>) target(%dma_start3A_137 : memref<10112x16xf32, #tpu.memory_space<vmem_shared>>) offsets(%dma_start3A_134 : memref<128xi32, #tpu.memory_space<vmem>>) semaphore(%run_scoped3A_131 : memref<!tpu.dma_semaphore, #tpu.memory_space<semaphore_mem>>) {add = true}
        %dma_wait3A_138 = arith.constant 0 : i32
        %dma_wait3A_139 = tpu.memref_slice %arg8[%add3A_120, %dma_wait3A_138] : memref<80x128xi32, #tpu.memory_space<vmem>> -> memref<1x128xi32, #tpu.memory_space<vmem>>
        %dma_wait3A_140 = tpu.memref_squeeze %dma_wait3A_139 : memref<1x128xi32, #tpu.memory_space<vmem>> -> memref<128xi32, #tpu.memory_space<vmem>>
        %dma_wait3A_141 = arith.constant 0 : i32
        %dma_wait3A_142 = arith.constant 0 : i32
        %dma_wait3A_143 = tpu.memref_slice %arg14[%dma_wait3A_141, %dma_wait3A_142] : memref<10112x16xf32, #tpu.memory_space<vmem_shared>> -> memref<10112x16xf32, #tpu.memory_space<vmem_shared>>
        tpu.wait_indirect_dma semaphore(%run_scoped3A_131 : memref<!tpu.dma_semaphore, #tpu.memory_space<semaphore_mem>>) src(%arg12 : memref<128x16xf32, #tpu.memory_space<vmem>>) dst(%dma_wait3A_143 : memref<10112x16xf32, #tpu.memory_space<vmem_shared>>)
        tpu.yield
      }) : () -> ()
      %add3A_121 = arith.constant 4 : i32
      %add3A_122 = arith.addi %mul3A_62, %add3A_121 : i32
      %add3A_123 = arith.constant 3 : i32
      %add3A_124 = arith.addi %add3A_122, %add3A_123 : i32
      %mul3A_125 = arith.constant 128 : i32
      %mul3A_126 = arith.muli %add3A_124, %mul3A_125 : i32
      %dma_start3A_127 = tpu.memref_slice %arg7[%mul3A_126] : memref<10240xi32, #tpu.memory_space<vmem>> -> memref<128xi32, #tpu.memory_space<vmem>>
      %dma_start3A_128 = arith.constant 0 : i32
      %dma_start3A_129 = arith.constant 0 : i32
      %dma_start3A_130 = tpu.memref_slice %arg4[%dma_start3A_128, %dma_start3A_129] : memref<10112x16xf32, #tpu.memory_space<hbm>> -> memref<10112x16xf32, #tpu.memory_space<hbm>>
      tpu.enqueue_indirect_dma source(%dma_start3A_130 : memref<10112x16xf32, #tpu.memory_space<hbm>>) target(%arg12 : memref<128x16xf32, #tpu.memory_space<vmem>>) offsets(%dma_start3A_127 : memref<128xi32, #tpu.memory_space<vmem>>) semaphore(%arg18 : memref<!tpu.dma_semaphore, #tpu.memory_space<semaphore_mem>>)
    }
    %scan3A_32 = arith.constant 19 : i32
    %dma_wait3A = arith.constant 0 : i32
    %dma_wait3A_33 = tpu.memref_slice %arg7[%dma_wait3A] : memref<10240xi32, #tpu.memory_space<vmem>> -> memref<128xi32, #tpu.memory_space<vmem>>
    %dma_wait3A_34 = arith.constant 0 : i32
    %dma_wait3A_35 = arith.constant 0 : i32
    %dma_wait3A_36 = tpu.memref_slice %arg4[%dma_wait3A_34, %dma_wait3A_35] : memref<10112x16xf32, #tpu.memory_space<hbm>> -> memref<10112x16xf32, #tpu.memory_space<hbm>>
    tpu.wait_indirect_dma semaphore(%arg15 : memref<!tpu.dma_semaphore, #tpu.memory_space<semaphore_mem>>) src(%dma_wait3A_36 : memref<10112x16xf32, #tpu.memory_space<hbm>>) dst(%arg9 : memref<128x16xf32, #tpu.memory_space<vmem>>)
    %run_scoped3A = arith.constant 76 : i32
    "tpu.region"() ({
      %run_scoped3A_60 = tpu.sem_alloc : memref<!tpu.dma_semaphore, #tpu.memory_space<semaphore_mem>>
      %dma_start3A_61 = arith.constant 0 : i32
      %dma_start3A_62 = tpu.memref_slice %arg8[%run_scoped3A, %dma_start3A_61] : memref<80x128xi32, #tpu.memory_space<vmem>> -> memref<1x128xi32, #tpu.memory_space<vmem>>
      %dma_start3A_63 = tpu.memref_squeeze %dma_start3A_62 : memref<1x128xi32, #tpu.memory_space<vmem>> -> memref<128xi32, #tpu.memory_space<vmem>>
      %dma_start3A_64 = arith.constant 0 : i32
      %dma_start3A_65 = arith.constant 0 : i32
      %dma_start3A_66 = tpu.memref_slice %arg14[%dma_start3A_64, %dma_start3A_65] : memref<10112x16xf32, #tpu.memory_space<vmem_shared>> -> memref<10112x16xf32, #tpu.memory_space<vmem_shared>>
      tpu.enqueue_indirect_dma source(%arg9 : memref<128x16xf32, #tpu.memory_space<vmem>>) target(%dma_start3A_66 : memref<10112x16xf32, #tpu.memory_space<vmem_shared>>) offsets(%dma_start3A_63 : memref<128xi32, #tpu.memory_space<vmem>>) semaphore(%run_scoped3A_60 : memref<!tpu.dma_semaphore, #tpu.memory_space<semaphore_mem>>) {add = true}
      %dma_wait3A_67 = arith.constant 0 : i32
      %dma_wait3A_68 = tpu.memref_slice %arg8[%run_scoped3A, %dma_wait3A_67] : memref<80x128xi32, #tpu.memory_space<vmem>> -> memref<1x128xi32, #tpu.memory_space<vmem>>
      %dma_wait3A_69 = tpu.memref_squeeze %dma_wait3A_68 : memref<1x128xi32, #tpu.memory_space<vmem>> -> memref<128xi32, #tpu.memory_space<vmem>>
      %dma_wait3A_70 = arith.constant 0 : i32
      %dma_wait3A_71 = arith.constant 0 : i32
      %dma_wait3A_72 = tpu.memref_slice %arg14[%dma_wait3A_70, %dma_wait3A_71] : memref<10112x16xf32, #tpu.memory_space<vmem_shared>> -> memref<10112x16xf32, #tpu.memory_space<vmem_shared>>
      tpu.wait_indirect_dma semaphore(%run_scoped3A_60 : memref<!tpu.dma_semaphore, #tpu.memory_space<semaphore_mem>>) src(%arg9 : memref<128x16xf32, #tpu.memory_space<vmem>>) dst(%dma_wait3A_72 : memref<10112x16xf32, #tpu.memory_space<vmem_shared>>)
      tpu.yield
    }) : () -> ()
    %dma_wait3A_37 = arith.constant 0 : i32
    %dma_wait3A_38 = tpu.memref_slice %arg7[%dma_wait3A_37] : memref<10240xi32, #tpu.memory_space<vmem>> -> memref<128xi32, #tpu.memory_space<vmem>>
    %dma_wait3A_39 = arith.constant 0 : i32
    %dma_wait3A_40 = arith.constant 0 : i32
    %dma_wait3A_41 = tpu.memref_slice %arg4[%dma_wait3A_39, %dma_wait3A_40] : memref<10112x16xf32, #tpu.memory_space<hbm>> -> memref<10112x16xf32, #tpu.memory_space<hbm>>
    tpu.wait_indirect_dma semaphore(%arg16 : memref<!tpu.dma_semaphore, #tpu.memory_space<semaphore_mem>>) src(%dma_wait3A_41 : memref<10112x16xf32, #tpu.memory_space<hbm>>) dst(%arg10 : memref<128x16xf32, #tpu.memory_space<vmem>>)
    %run_scoped3A_42 = arith.constant 77 : i32
    "tpu.region"() ({
      %run_scoped3A_60 = tpu.sem_alloc : memref<!tpu.dma_semaphore, #tpu.memory_space<semaphore_mem>>
      %dma_start3A_61 = arith.constant 0 : i32
      %dma_start3A_62 = tpu.memref_slice %arg8[%run_scoped3A_42, %dma_start3A_61] : memref<80x128xi32, #tpu.memory_space<vmem>> -> memref<1x128xi32, #tpu.memory_space<vmem>>
      %dma_start3A_63 = tpu.memref_squeeze %dma_start3A_62 : memref<1x128xi32, #tpu.memory_space<vmem>> -> memref<128xi32, #tpu.memory_space<vmem>>
      %dma_start3A_64 = arith.constant 0 : i32
      %dma_start3A_65 = arith.constant 0 : i32
      %dma_start3A_66 = tpu.memref_slice %arg14[%dma_start3A_64, %dma_start3A_65] : memref<10112x16xf32, #tpu.memory_space<vmem_shared>> -> memref<10112x16xf32, #tpu.memory_space<vmem_shared>>
      tpu.enqueue_indirect_dma source(%arg10 : memref<128x16xf32, #tpu.memory_space<vmem>>) target(%dma_start3A_66 : memref<10112x16xf32, #tpu.memory_space<vmem_shared>>) offsets(%dma_start3A_63 : memref<128xi32, #tpu.memory_space<vmem>>) semaphore(%run_scoped3A_60 : memref<!tpu.dma_semaphore, #tpu.memory_space<semaphore_mem>>) {add = true}
      %dma_wait3A_67 = arith.constant 0 : i32
      %dma_wait3A_68 = tpu.memref_slice %arg8[%run_scoped3A_42, %dma_wait3A_67] : memref<80x128xi32, #tpu.memory_space<vmem>> -> memref<1x128xi32, #tpu.memory_space<vmem>>
      %dma_wait3A_69 = tpu.memref_squeeze %dma_wait3A_68 : memref<1x128xi32, #tpu.memory_space<vmem>> -> memref<128xi32, #tpu.memory_space<vmem>>
      %dma_wait3A_70 = arith.constant 0 : i32
      %dma_wait3A_71 = arith.constant 0 : i32
      %dma_wait3A_72 = tpu.memref_slice %arg14[%dma_wait3A_70, %dma_wait3A_71] : memref<10112x16xf32, #tpu.memory_space<vmem_shared>> -> memref<10112x16xf32, #tpu.memory_space<vmem_shared>>
      tpu.wait_indirect_dma semaphore(%run_scoped3A_60 : memref<!tpu.dma_semaphore, #tpu.memory_space<semaphore_mem>>) src(%arg10 : memref<128x16xf32, #tpu.memory_space<vmem>>) dst(%dma_wait3A_72 : memref<10112x16xf32, #tpu.memory_space<vmem_shared>>)
      tpu.yield
    }) : () -> ()
    %dma_wait3A_43 = arith.constant 0 : i32
    %dma_wait3A_44 = tpu.memref_slice %arg7[%dma_wait3A_43] : memref<10240xi32, #tpu.memory_space<vmem>> -> memref<128xi32, #tpu.memory_space<vmem>>
    %dma_wait3A_45 = arith.constant 0 : i32
    %dma_wait3A_46 = arith.constant 0 : i32
    %dma_wait3A_47 = tpu.memref_slice %arg4[%dma_wait3A_45, %dma_wait3A_46] : memref<10112x16xf32, #tpu.memory_space<hbm>> -> memref<10112x16xf32, #tpu.memory_space<hbm>>
    tpu.wait_indirect_dma semaphore(%arg17 : memref<!tpu.dma_semaphore, #tpu.memory_space<semaphore_mem>>) src(%dma_wait3A_47 : memref<10112x16xf32, #tpu.memory_space<hbm>>) dst(%arg11 : memref<128x16xf32, #tpu.memory_space<vmem>>)
    %run_scoped3A_48 = arith.constant 78 : i32
    "tpu.region"() ({
      %run_scoped3A_60 = tpu.sem_alloc : memref<!tpu.dma_semaphore, #tpu.memory_space<semaphore_mem>>
      %dma_start3A_61 = arith.constant 0 : i32
      %dma_start3A_62 = tpu.memref_slice %arg8[%run_scoped3A_48, %dma_start3A_61] : memref<80x128xi32, #tpu.memory_space<vmem>> -> memref<1x128xi32, #tpu.memory_space<vmem>>
      %dma_start3A_63 = tpu.memref_squeeze %dma_start3A_62 : memref<1x128xi32, #tpu.memory_space<vmem>> -> memref<128xi32, #tpu.memory_space<vmem>>
      %dma_start3A_64 = arith.constant 0 : i32
      %dma_start3A_65 = arith.constant 0 : i32
      %dma_start3A_66 = tpu.memref_slice %arg14[%dma_start3A_64, %dma_start3A_65] : memref<10112x16xf32, #tpu.memory_space<vmem_shared>> -> memref<10112x16xf32, #tpu.memory_space<vmem_shared>>
      tpu.enqueue_indirect_dma source(%arg11 : memref<128x16xf32, #tpu.memory_space<vmem>>) target(%dma_start3A_66 : memref<10112x16xf32, #tpu.memory_space<vmem_shared>>) offsets(%dma_start3A_63 : memref<128xi32, #tpu.memory_space<vmem>>) semaphore(%run_scoped3A_60 : memref<!tpu.dma_semaphore, #tpu.memory_space<semaphore_mem>>) {add = true}
      %dma_wait3A_67 = arith.constant 0 : i32
      %dma_wait3A_68 = tpu.memref_slice %arg8[%run_scoped3A_48, %dma_wait3A_67] : memref<80x128xi32, #tpu.memory_space<vmem>> -> memref<1x128xi32, #tpu.memory_space<vmem>>
      %dma_wait3A_69 = tpu.memref_squeeze %dma_wait3A_68 : memref<1x128xi32, #tpu.memory_space<vmem>> -> memref<128xi32, #tpu.memory_space<vmem>>
      %dma_wait3A_70 = arith.constant 0 : i32
      %dma_wait3A_71 = arith.constant 0 : i32
      %dma_wait3A_72 = tpu.memref_slice %arg14[%dma_wait3A_70, %dma_wait3A_71] : memref<10112x16xf32, #tpu.memory_space<vmem_shared>> -> memref<10112x16xf32, #tpu.memory_space<vmem_shared>>
      tpu.wait_indirect_dma semaphore(%run_scoped3A_60 : memref<!tpu.dma_semaphore, #tpu.memory_space<semaphore_mem>>) src(%arg11 : memref<128x16xf32, #tpu.memory_space<vmem>>) dst(%dma_wait3A_72 : memref<10112x16xf32, #tpu.memory_space<vmem_shared>>)
      tpu.yield
    }) : () -> ()
    %dma_wait3A_49 = arith.constant 0 : i32
    %dma_wait3A_50 = tpu.memref_slice %arg7[%dma_wait3A_49] : memref<10240xi32, #tpu.memory_space<vmem>> -> memref<128xi32, #tpu.memory_space<vmem>>
    %dma_wait3A_51 = arith.constant 0 : i32
    %dma_wait3A_52 = arith.constant 0 : i32
    %dma_wait3A_53 = tpu.memref_slice %arg4[%dma_wait3A_51, %dma_wait3A_52] : memref<10112x16xf32, #tpu.memory_space<hbm>> -> memref<10112x16xf32, #tpu.memory_space<hbm>>
    tpu.wait_indirect_dma semaphore(%arg18 : memref<!tpu.dma_semaphore, #tpu.memory_space<semaphore_mem>>) src(%dma_wait3A_53 : memref<10112x16xf32, #tpu.memory_space<hbm>>) dst(%arg12 : memref<128x16xf32, #tpu.memory_space<vmem>>)
    %run_scoped3A_54 = arith.constant 79 : i32
    "tpu.region"() ({
      %run_scoped3A_60 = tpu.sem_alloc : memref<!tpu.dma_semaphore, #tpu.memory_space<semaphore_mem>>
      %dma_start3A_61 = arith.constant 0 : i32
      %dma_start3A_62 = tpu.memref_slice %arg8[%run_scoped3A_54, %dma_start3A_61] : memref<80x128xi32, #tpu.memory_space<vmem>> -> memref<1x128xi32, #tpu.memory_space<vmem>>
      %dma_start3A_63 = tpu.memref_squeeze %dma_start3A_62 : memref<1x128xi32, #tpu.memory_space<vmem>> -> memref<128xi32, #tpu.memory_space<vmem>>
      %dma_start3A_64 = arith.constant 0 : i32
      %dma_start3A_65 = arith.constant 0 : i32
      %dma_start3A_66 = tpu.memref_slice %arg14[%dma_start3A_64, %dma_start3A_65] : memref<10112x16xf32, #tpu.memory_space<vmem_shared>> -> memref<10112x16xf32, #tpu.memory_space<vmem_shared>>
      tpu.enqueue_indirect_dma source(%arg12 : memref<128x16xf32, #tpu.memory_space<vmem>>) target(%dma_start3A_66 : memref<10112x16xf32, #tpu.memory_space<vmem_shared>>) offsets(%dma_start3A_63 : memref<128xi32, #tpu.memory_space<vmem>>) semaphore(%run_scoped3A_60 : memref<!tpu.dma_semaphore, #tpu.memory_space<semaphore_mem>>) {add = true}
      %dma_wait3A_67 = arith.constant 0 : i32
      %dma_wait3A_68 = tpu.memref_slice %arg8[%run_scoped3A_54, %dma_wait3A_67] : memref<80x128xi32, #tpu.memory_space<vmem>> -> memref<1x128xi32, #tpu.memory_space<vmem>>
      %dma_wait3A_69 = tpu.memref_squeeze %dma_wait3A_68 : memref<1x128xi32, #tpu.memory_space<vmem>> -> memref<128xi32, #tpu.memory_space<vmem>>
      %dma_wait3A_70 = arith.constant 0 : i32
      %dma_wait3A_71 = arith.constant 0 : i32
      %dma_wait3A_72 = tpu.memref_slice %arg14[%dma_wait3A_70, %dma_wait3A_71] : memref<10112x16xf32, #tpu.memory_space<vmem_shared>> -> memref<10112x16xf32, #tpu.memory_space<vmem_shared>>
      tpu.wait_indirect_dma semaphore(%run_scoped3A_60 : memref<!tpu.dma_semaphore, #tpu.memory_space<semaphore_mem>>) src(%arg12 : memref<128x16xf32, #tpu.memory_space<vmem>>) dst(%dma_wait3A_72 : memref<10112x16xf32, #tpu.memory_space<vmem_shared>>)
      tpu.yield
    }) : () -> ()
    %barrier3A_55 = arith.constant 0 : index
    tpu.barrier barrier_id(%barrier3A_55)
    %mul3A_56 = arith.constant 632 : i32
    %mul3A_57 = arith.muli %arg1, %mul3A_56 : i32
    "tpu.region"() ({
      %run_scoped3A_60 = tpu.sem_alloc : memref<!tpu.dma_semaphore, #tpu.memory_space<semaphore_mem>>
      %dma_start3A_61 = arith.constant 0 : i32
      %dma_start3A_62 = tpu.memref_slice %arg14[%mul3A_57, %dma_start3A_61] : memref<10112x16xf32, #tpu.memory_space<vmem_shared>> -> memref<632x16xf32, #tpu.memory_space<vmem_shared>>
      %dma_start3A_63 = arith.constant 0 : i32
      %dma_start3A_64 = tpu.memref_slice %arg14[%mul3A_57, %dma_start3A_63] : memref<10112x16xf32, #tpu.memory_space<vmem_shared>> -> memref<632x16xf32, #tpu.memory_space<vmem_shared>>
      tpu.enqueue_dma source(%dma_start3A_64 : memref<632x16xf32, #tpu.memory_space<vmem_shared>>) target(%arg13 : memref<632x16xf32, #tpu.memory_space<vmem>>) target_semaphore(%run_scoped3A_60 : memref<!tpu.dma_semaphore, #tpu.memory_space<semaphore_mem>>)
      %dma_wait3A_65 = arith.constant 0 : i32
      %dma_wait3A_66 = tpu.memref_slice %arg14[%mul3A_57, %dma_wait3A_65] : memref<10112x16xf32, #tpu.memory_space<vmem_shared>> -> memref<632x16xf32, #tpu.memory_space<vmem_shared>>
      %dma_wait3A_67 = arith.constant 0 : i32
      %dma_wait3A_68 = tpu.memref_slice %arg14[%mul3A_57, %dma_wait3A_67] : memref<10112x16xf32, #tpu.memory_space<vmem_shared>> -> memref<632x16xf32, #tpu.memory_space<vmem_shared>>
      tpu.wait_dma2 semaphore(%run_scoped3A_60 : memref<!tpu.dma_semaphore, #tpu.memory_space<semaphore_mem>>) src(%dma_wait3A_68 : memref<632x16xf32, #tpu.memory_space<vmem_shared>>) dst(%arg13 : memref<632x16xf32, #tpu.memory_space<vmem>>)
      tpu.yield
    }) : () -> ()
    %mul3A_58 = arith.constant 632 : i32
    %mul3A_59 = arith.muli %arg1, %mul3A_58 : i32
    "tpu.region"() ({
      %run_scoped3A_60 = tpu.sem_alloc : memref<!tpu.dma_semaphore, #tpu.memory_space<semaphore_mem>>
      %dma_start3A_61 = arith.constant 0 : i32
      %dma_start3A_62 = tpu.memref_slice %arg6[%arg0, %mul3A_59, %dma_start3A_61] : memref<2x10112x16xf32, #tpu.memory_space<hbm>> -> memref<1x632x16xf32, #tpu.memory_space<hbm>>
      %dma_start3A_63 = tpu.memref_squeeze %dma_start3A_62 : memref<1x632x16xf32, #tpu.memory_space<hbm>> -> memref<632x16xf32, #tpu.memory_space<hbm>>
      %dma_start3A_64 = arith.constant 0 : i32
      %dma_start3A_65 = tpu.memref_slice %arg6[%arg0, %mul3A_59, %dma_start3A_64] : memref<2x10112x16xf32, #tpu.memory_space<hbm>> -> memref<1x632x16xf32, #tpu.memory_space<hbm>>
      %dma_start3A_66 = tpu.memref_squeeze %dma_start3A_65 : memref<1x632x16xf32, #tpu.memory_space<hbm>> -> memref<632x16xf32, #tpu.memory_space<hbm>>
      tpu.enqueue_dma source(%arg13 : memref<632x16xf32, #tpu.memory_space<vmem>>) target(%dma_start3A_66 : memref<632x16xf32, #tpu.memory_space<hbm>>) target_semaphore(%run_scoped3A_60 : memref<!tpu.dma_semaphore, #tpu.memory_space<semaphore_mem>>)
      %dma_wait3A_67 = arith.constant 0 : i32
      %dma_wait3A_68 = tpu.memref_slice %arg6[%arg0, %mul3A_59, %dma_wait3A_67] : memref<2x10112x16xf32, #tpu.memory_space<hbm>> -> memref<1x632x16xf32, #tpu.memory_space<hbm>>
      %dma_wait3A_69 = tpu.memref_squeeze %dma_wait3A_68 : memref<1x632x16xf32, #tpu.memory_space<hbm>> -> memref<632x16xf32, #tpu.memory_space<hbm>>
      %dma_wait3A_70 = arith.constant 0 : i32
      %dma_wait3A_71 = tpu.memref_slice %arg6[%arg0, %mul3A_59, %dma_wait3A_70] : memref<2x10112x16xf32, #tpu.memory_space<hbm>> -> memref<1x632x16xf32, #tpu.memory_space<hbm>>
      %dma_wait3A_72 = tpu.memref_squeeze %dma_wait3A_71 : memref<1x632x16xf32, #tpu.memory_space<hbm>> -> memref<632x16xf32, #tpu.memory_space<hbm>>
      tpu.wait_dma2 semaphore(%run_scoped3A_60 : memref<!tpu.dma_semaphore, #tpu.memory_space<semaphore_mem>>) src(%arg13 : memref<632x16xf32, #tpu.memory_space<vmem>>) dst(%dma_wait3A_72 : memref<632x16xf32, #tpu.memory_space<hbm>>)
      tpu.yield
    }) : () -> ()
    return
  }
}

module attributes {stable_mosaic.version = 14 : i64} {
  func.func @_tc1_body(%arg0: memref<10112x128xf32, #tpu.memory_space<vmem>>, %arg1: memref<128x16xf32, #tpu.memory_space<vmem>>, %arg2: memref<2x10112xf32, #tpu.memory_space<vmem>>, %arg3: memref<10112x16xf32, #tpu.memory_space<vmem>>) attributes {dimension_semantics = [], scalar_prefetch = 0 : i64, scratch_operands = 0 : i64, tpu.core_type = #tpu.core_type<tc>} {
    %get3A = arith.constant 0 : index
    %get3A_0 = arith.constant 0 : index
    %get3A_1 = vector.load %arg2[%get3A, %get3A_0] : memref<2x10112xf32, #tpu.memory_space<vmem>>, vector<1x10112xf32>
    %get3A_2 = arith.constant 1 : index
    %get3A_3 = arith.constant 0 : index
    %get3A_4 = vector.load %arg2[%get3A_2, %get3A_3] : memref<2x10112xf32, #tpu.memory_space<vmem>>, vector<1x10112xf32>
    %add3A = arith.addf %get3A_1, %get3A_4 : vector<1x10112xf32>
    %add3A_5 = arith.constant 1.000000e+00 : f32
    %add3A_6 = vector.broadcast %add3A_5 : f32 to vector<1x10112xf32>
    %add3A_7 = arith.addf %add3A, %add3A_6 : vector<1x10112xf32>
    %rsqrt3A = math.rsqrt %add3A_7 : vector<1x10112xf32>
    %get3A_8 = arith.constant 0 : index
    %get3A_9 = arith.constant 0 : index
    %get3A_10 = vector.load %arg0[%get3A_8, %get3A_9] : memref<10112x128xf32, #tpu.memory_space<vmem>>, vector<10112x128xf32>
    %get3A_11 = arith.constant 0 : index
    %get3A_12 = arith.constant 0 : index
    %get3A_13 = vector.load %arg1[%get3A_11, %get3A_12] : memref<128x16xf32, #tpu.memory_space<vmem>>, vector<128x16xf32>
    %dot_general3A = arith.constant dense<0.000000e+00> : vector<10112x16xf32>
    %dot_general3A_14 = tpu.matmul %get3A_10, %get3A_13, %dot_general3A {dimension_numbers = #tpu.dot_dimension_numbers<[1], [0], [0], [1], [0, 0, 1, 1], [], []>, transpose_lhs_hint = false} : vector<10112x128xf32>, vector<128x16xf32>, vector<10112x16xf32> -> vector<10112x16xf32>
    %iota3A = tpu.iota {dimensions = array<i32: 0>} : vector<10112x16xi32>
    %lt3A = arith.constant 10000 : i32
    %lt3A_15 = vector.broadcast %lt3A : i32 to vector<10112x16xi32>
    %lt3A_16 = arith.cmpi slt, %iota3A, %lt3A_15 : vector<10112x16xi32>
    %reshape3A = vector.shape_cast %rsqrt3A : vector<1x10112xf32> to vector<10112x1xf32>
    %mul3A = vector.broadcast %reshape3A : vector<10112x1xf32> to vector<10112x16xf32>
    %mul3A_17 = arith.mulf %dot_general3A_14, %mul3A : vector<10112x16xf32>
    %jit3A = arith.constant 0.000000e+00 : f32
    %broadcast_in_dim3A = vector.broadcast %jit3A : f32 to vector<10112x16xf32>
    %select_n3A = arith.select %lt3A_16, %mul3A_17, %broadcast_in_dim3A : vector<10112x16xi1>, vector<10112x16xf32>
    %swap3A = arith.constant 0 : index
    %swap3A_18 = arith.constant 0 : index
    %swap3A_19 = vector.load %arg3[%swap3A, %swap3A_18] : memref<10112x16xf32, #tpu.memory_space<vmem>>, vector<10112x16xf32>
    tpu.vector_store %arg3[%swap3A, %swap3A_18], %select_n3A {strides = array<i32>} : memref<10112x16xf32, #tpu.memory_space<vmem>>, vector<10112x16xf32>,
    return
  }
}

module attributes {stable_mosaic.version = 14 : i64} {
  func.func @_tc2_body(%arg0: memref<2x10112x16xf32, #tpu.memory_space<vmem>>, %arg1: memref<10112x16xf32, #tpu.memory_space<vmem>>, %arg2: memref<1x16xf32, #tpu.memory_space<vmem>>, %arg3: memref<2x10112xf32, #tpu.memory_space<vmem>>, %arg4: memref<16x48xf32, #tpu.memory_space<vmem>>, %arg5: memref<10112x48xf32, #tpu.memory_space<vmem>>) attributes {dimension_semantics = [], scalar_prefetch = 0 : i64, scratch_operands = 0 : i64, tpu.core_type = #tpu.core_type<tc>} {
    %get3A = arith.constant 0 : index
    %get3A_0 = arith.constant 0 : index
    %get3A_1 = vector.load %arg3[%get3A, %get3A_0] : memref<2x10112xf32, #tpu.memory_space<vmem>>, vector<1x10112xf32>
    %get3A_2 = arith.constant 1 : index
    %get3A_3 = arith.constant 0 : index
    %get3A_4 = vector.load %arg3[%get3A_2, %get3A_3] : memref<2x10112xf32, #tpu.memory_space<vmem>>, vector<1x10112xf32>
    %add3A = arith.addf %get3A_1, %get3A_4 : vector<1x10112xf32>
    %add3A_5 = arith.constant 1.000000e+00 : f32
    %add3A_6 = vector.broadcast %add3A_5 : f32 to vector<1x10112xf32>
    %add3A_7 = arith.addf %add3A, %add3A_6 : vector<1x10112xf32>
    %rsqrt3A = math.rsqrt %add3A_7 : vector<1x10112xf32>
    %reshape3A = vector.shape_cast %rsqrt3A : vector<1x10112xf32> to vector<10112x1xf32>
    %get3A_8 = arith.constant 0 : index
    %get3A_9 = arith.constant 0 : index
    %get3A_10 = arith.constant 0 : index
    %get3A_11 = vector.load %arg0[%get3A_8, %get3A_9, %get3A_10] : memref<2x10112x16xf32, #tpu.memory_space<vmem>>, vector<1x10112x16xf32>
    %get3A_12 = vector.shape_cast %get3A_11 : vector<1x10112x16xf32> to vector<10112x16xf32>
    %get3A_13 = arith.constant 1 : index
    %get3A_14 = arith.constant 0 : index
    %get3A_15 = arith.constant 0 : index
    %get3A_16 = vector.load %arg0[%get3A_13, %get3A_14, %get3A_15] : memref<2x10112x16xf32, #tpu.memory_space<vmem>>, vector<1x10112x16xf32>
    %get3A_17 = vector.shape_cast %get3A_16 : vector<1x10112x16xf32> to vector<10112x16xf32>
    %add3A_18 = arith.addf %get3A_12, %get3A_17 : vector<10112x16xf32>
    %get3A_19 = arith.constant 0 : index
    %get3A_20 = arith.constant 0 : index
    %get3A_21 = vector.load %arg1[%get3A_19, %get3A_20] : memref<10112x16xf32, #tpu.memory_space<vmem>>, vector<10112x16xf32>
    %add3A_22 = arith.addf %add3A_18, %get3A_21 : vector<10112x16xf32>
    %mul3A = vector.broadcast %reshape3A : vector<10112x1xf32> to vector<10112x16xf32>
    %mul3A_23 = arith.mulf %add3A_22, %mul3A : vector<10112x16xf32>
    %get3A_24 = arith.constant 0 : index
    %get3A_25 = arith.constant 0 : index
    %get3A_26 = vector.load %arg2[%get3A_24, %get3A_25] : memref<1x16xf32, #tpu.memory_space<vmem>>, vector<1x16xf32>
    %add3A_27 = vector.broadcast %get3A_26 : vector<1x16xf32> to vector<10112x16xf32>
    %add3A_28 = arith.addf %mul3A_23, %add3A_27 : vector<10112x16xf32>
    %max3A = arith.constant 0.000000e+00 : f32
    %max3A_29 = vector.broadcast %max3A : f32 to vector<10112x16xf32>
    %max3A_30 = arith.maximumf %add3A_28, %max3A_29 : vector<10112x16xf32>
    %get3A_31 = arith.constant 0 : index
    %get3A_32 = arith.constant 0 : index
    %get3A_33 = vector.load %arg4[%get3A_31, %get3A_32] : memref<16x48xf32, #tpu.memory_space<vmem>>, vector<16x48xf32>
    %dot_general3A = arith.constant dense<0.000000e+00> : vector<10112x48xf32>
    %dot_general3A_34 = tpu.matmul %max3A_30, %get3A_33, %dot_general3A {dimension_numbers = #tpu.dot_dimension_numbers<[1], [0], [0], [1], [0, 0, 1, 1], [], []>, transpose_lhs_hint = false} : vector<10112x16xf32>, vector<16x48xf32>, vector<10112x48xf32> -> vector<10112x48xf32>
    %mul3A_35 = vector.broadcast %reshape3A : vector<10112x1xf32> to vector<10112x48xf32>
    %mul3A_36 = arith.mulf %dot_general3A_34, %mul3A_35 : vector<10112x48xf32>
    %iota3A = tpu.iota {dimensions = array<i32: 0>} : vector<10112x48xi32>
    %lt3A = arith.constant 10000 : i32
    %lt3A_37 = vector.broadcast %lt3A : i32 to vector<10112x48xi32>
    %lt3A_38 = arith.cmpi slt, %iota3A, %lt3A_37 : vector<10112x48xi32>
    %jit3A = arith.constant 0.000000e+00 : f32
    %broadcast_in_dim3A = vector.broadcast %jit3A : f32 to vector<10112x48xf32>
    %select_n3A = arith.select %lt3A_38, %mul3A_36, %broadcast_in_dim3A : vector<10112x48xi1>, vector<10112x48xf32>
    %swap3A = arith.constant 0 : index
    %swap3A_39 = arith.constant 0 : index
    %swap3A_40 = vector.load %arg5[%swap3A, %swap3A_39] : memref<10112x48xf32, #tpu.memory_space<vmem>>, vector<10112x48xf32>
    tpu.vector_store %arg5[%swap3A, %swap3A_39], %select_n3A {strides = array<i32>} : memref<10112x48xf32, #tpu.memory_space<vmem>>, vector<10112x48xf32>,
    return
  }
}

module attributes {stable_mosaic.version = 14 : i64} {
  func.func @_tc3_body(%arg0: memref<2x10112x48xf32, #tpu.memory_space<vmem>>, %arg1: memref<10112x48xf32, #tpu.memory_space<vmem>>, %arg2: memref<1x48xf32, #tpu.memory_space<vmem>>, %arg3: memref<2x10112xf32, #tpu.memory_space<vmem>>, %arg4: memref<10112x48xf32, #tpu.memory_space<vmem>>) attributes {dimension_semantics = [], scalar_prefetch = 0 : i64, scratch_operands = 0 : i64, tpu.core_type = #tpu.core_type<tc>} {
    %get3A = arith.constant 0 : index
    %get3A_0 = arith.constant 0 : index
    %get3A_1 = vector.load %arg3[%get3A, %get3A_0] : memref<2x10112xf32, #tpu.memory_space<vmem>>, vector<1x10112xf32>
    %get3A_2 = arith.constant 1 : index
    %get3A_3 = arith.constant 0 : index
    %get3A_4 = vector.load %arg3[%get3A_2, %get3A_3] : memref<2x10112xf32, #tpu.memory_space<vmem>>, vector<1x10112xf32>
    %add3A = arith.addf %get3A_1, %get3A_4 : vector<1x10112xf32>
    %add3A_5 = arith.constant 1.000000e+00 : f32
    %add3A_6 = vector.broadcast %add3A_5 : f32 to vector<1x10112xf32>
    %add3A_7 = arith.addf %add3A, %add3A_6 : vector<1x10112xf32>
    %rsqrt3A = math.rsqrt %add3A_7 : vector<1x10112xf32>
    %reshape3A = vector.shape_cast %rsqrt3A : vector<1x10112xf32> to vector<10112x1xf32>
    %get3A_8 = arith.constant 0 : index
    %get3A_9 = arith.constant 0 : index
    %get3A_10 = arith.constant 0 : index
    %get3A_11 = vector.load %arg0[%get3A_8, %get3A_9, %get3A_10] : memref<2x10112x48xf32, #tpu.memory_space<vmem>>, vector<1x10112x48xf32>
    %get3A_12 = vector.shape_cast %get3A_11 : vector<1x10112x48xf32> to vector<10112x48xf32>
    %get3A_13 = arith.constant 1 : index
    %get3A_14 = arith.constant 0 : index
    %get3A_15 = arith.constant 0 : index
    %get3A_16 = vector.load %arg0[%get3A_13, %get3A_14, %get3A_15] : memref<2x10112x48xf32, #tpu.memory_space<vmem>>, vector<1x10112x48xf32>
    %get3A_17 = vector.shape_cast %get3A_16 : vector<1x10112x48xf32> to vector<10112x48xf32>
    %add3A_18 = arith.addf %get3A_12, %get3A_17 : vector<10112x48xf32>
    %get3A_19 = arith.constant 0 : index
    %get3A_20 = arith.constant 0 : index
    %get3A_21 = vector.load %arg1[%get3A_19, %get3A_20] : memref<10112x48xf32, #tpu.memory_space<vmem>>, vector<10112x48xf32>
    %add3A_22 = arith.addf %add3A_18, %get3A_21 : vector<10112x48xf32>
    %mul3A = vector.broadcast %reshape3A : vector<10112x1xf32> to vector<10112x48xf32>
    %mul3A_23 = arith.mulf %add3A_22, %mul3A : vector<10112x48xf32>
    %get3A_24 = arith.constant 0 : index
    %get3A_25 = arith.constant 0 : index
    %get3A_26 = vector.load %arg2[%get3A_24, %get3A_25] : memref<1x48xf32, #tpu.memory_space<vmem>>, vector<1x48xf32>
    %add3A_27 = vector.broadcast %get3A_26 : vector<1x48xf32> to vector<10112x48xf32>
    %add3A_28 = arith.addf %mul3A_23, %add3A_27 : vector<10112x48xf32>
    %iota3A = tpu.iota {dimensions = array<i32: 1>} : vector<10112x48xi32>
    %lt3A = arith.constant 40 : i32
    %lt3A_29 = vector.broadcast %lt3A : i32 to vector<10112x48xi32>
    %lt3A_30 = arith.cmpi slt, %iota3A, %lt3A_29 : vector<10112x48xi32>
    %jit3A = arith.constant -1.000000e+30 : f32
    %broadcast_in_dim3A = vector.broadcast %jit3A : f32 to vector<10112x48xf32>
    %select_n3A = arith.select %lt3A_30, %add3A_28, %broadcast_in_dim3A : vector<10112x48xi1>, vector<10112x48xf32>
    %reduce_max3A = arith.constant dense<0xFF800000> : vector<10112xf32>
    %reduce_max3A_31 = vector.multi_reduction <maximumf>, %select_n3A, %reduce_max3A [1] : vector<10112x48xf32> to vector<10112xf32>
    %broadcast_in_dim3A_32 = vector.shape_cast %reduce_max3A_31 : vector<10112xf32> to vector<10112x1xf32>
    %sub3A = vector.broadcast %broadcast_in_dim3A_32 : vector<10112x1xf32> to vector<10112x48xf32>
    %sub3A_33 = arith.subf %add3A_28, %sub3A : vector<10112x48xf32>
    %exp3A = math.exp %sub3A_33 : vector<10112x48xf32>
    %jit3A_34 = arith.constant 0.000000e+00 : f32
    %broadcast_in_dim3A_35 = vector.broadcast %jit3A_34 : f32 to vector<10112x48xf32>
    %select_n3A_36 = arith.select %lt3A_30, %exp3A, %broadcast_in_dim3A_35 : vector<10112x48xi1>, vector<10112x48xf32>
    %reduce_sum3A = arith.constant dense<0.000000e+00> : vector<10112xf32>
    %reduce_sum3A_37 = vector.multi_reduction <add>, %select_n3A_36, %reduce_sum3A [1] : vector<10112x48xf32> to vector<10112xf32>
    %broadcast_in_dim3A_38 = vector.shape_cast %reduce_sum3A_37 : vector<10112xf32> to vector<10112x1xf32>
    %sub3A_39 = vector.broadcast %broadcast_in_dim3A_32 : vector<10112x1xf32> to vector<10112x48xf32>
    %sub3A_40 = arith.subf %add3A_28, %sub3A_39 : vector<10112x48xf32>
    %log3A = math.log %broadcast_in_dim3A_38 : vector<10112x1xf32>
    %sub3A_41 = vector.broadcast %log3A : vector<10112x1xf32> to vector<10112x48xf32>
    %sub3A_42 = arith.subf %sub3A_40, %sub3A_41 : vector<10112x48xf32>
    %swap3A = arith.constant 0 : index
    %swap3A_43 = arith.constant 0 : index
    %swap3A_44 = vector.load %arg4[%swap3A, %swap3A_43] : memref<10112x48xf32, #tpu.memory_space<vmem>>, vector<10112x48xf32>
    tpu.vector_store %arg4[%swap3A, %swap3A_43], %sub3A_42 {strides = array<i32>} : memref<10112x48xf32, #tpu.memory_space<vmem>>, vector<10112x48xf32>,
    return
  }
}

</mosaic_0001>

<sc_bundles>
// kernel: kernel.11.cloned.1.call-start
scs
__scs_entry_jumppad:
0x0: {  	(pc) =	sbr.rel $0x88, $3  }
0x1: {  	(tag) =	ssettag $0x0;
	lr =	simm.s32 $0x1  }
0x2: {  	[smem:$0x3F9B] =	sst lr;
	_ =	strace $0xD0000000  }
0x3: {  	_ = 	snop  }
0x4: {  	_ = 	snop  }
0x5: {  	_ = 	snop  }
0x6: {  	_ = 	snop  }
0x7: {  	_ = 	snop  }
__scs_overlays_trampoline_lowered:
0x8: {  	[smem:$0x3FAA] =	sst s0  }
0x9: {  	[smem:$0x3FAB] =	sst s1  }
0xa: {  	[smem:$0x3FAC] =	sst s2  }
0xb: {  	[smem:$0x3FAD] =	sst s3  }
0xc: {  	[smem:$0x3FAE] =	sst s4  }
0xd: {  	[smem:$0x3FAF] =	sst s5  }
0xe: {  	[smem:$0x3FB0] =	sst s6  }
0xf: {  	[smem:$0x3FB1] =	sst s7  }
0x10: {  	[smem:$0x3FB2] =	sst s8  }
0x11: {  	[smem:$0x3FB3] =	sst s9;
	s0 =	simm.s32 @!p0 $0x0  }
0x12: {  	s1 =	sld [smem:$0x3F99];
	s0 =	simm.s32 @p0 $0x1  }
0x13: {  	[smem:$0x3FB4] =	sst s0;
	s0 =	simm.s32 @!p1 $0x0  }
0x14: {  	s2 =	sld [smem:$0x3F98];
	s0 =	simm.s32 @p1 $0x1  }
0x15: {  	[smem:$0x3FB5] =	sst s0;
	s0 =	simm.s32 @!p2 $0x0  }
0x16: {  	s3 =	sld [smem:$0x3FDB];
	s0 =	simm.s32 @p2 $0x1  }
0x17: {  	s4 =	simm.s32 $0x1BF5;
	[smem:$0x3FB7] =	sst s0  }
0x18: {  	s0 =	sld [smem:$0x3F9A];
	_ =	swait.ge [sflag:s4], $0x0  }
0x19: {  	s7 =	sld [smem:$0x3F9B]  }
0x1a: {  	s8 =	sadd.s32 $0xFFFFE003, lr  }
0x1b: {  	s9 =	sadd.s32 $0xFFFFFEF7, lr;
	s5 =	simm.s32 $0xFFFFFFFF;
	p2 =	slt.u32 s8, $0xFFFFF086  }
0x1c: {  	p1 =	slt.u32 s9, $0xF7A;
	s5 =	simm.s32 @!p2 $0x0  }
0x1d: {  	s5 =	simm.s32 @p1 $0x1;
	p0 =	seq.s32 s7, s2  }
0x1e: {  	s7 =	smul.u32 @!p0 $0xF7A, s2;
	p2 =	seq.s32 @!p0 s5, $0x0  }
0x1f: {  	s9 =	smul.u32 $0xF7A, s1;
	s8 =	simm.s32 @!p0 $0x1BF5;
	p2 =	por !p2, p0  }
0x20: {  	[sflag:s8] =	ssyncset.s32 @!p0 $0xFFFFF086;
	s6 =	sadd.s32 @!p0 s3, s7;
	s7 =	simm.s32 @!p0 $0x108  }
0x21: {  	s3 =	sadd.s32 s3, s9;
	s6 =	sadd.s32 @!p0 $0x88, s6;
	s7 =	simm.s32 @p2 $0x1082  }
0x22: {  	[simem:s7], [sflag:s8] =	dma.local @!p0 [hbm:s6], $0xF7A  }
0x23: {  	s9 =	sor.u32 $0xD0000000, s2;
	s6 =	simm.s32 $0x108;
	_ =	swait.ge @!p0 [sflag:s8], $0x0  }
0x24: {  	s3 =	sadd.s32 $0x88, s3;
	s6 =	simm.s32 @!p1 $0x1082;
	[sflag:s4] =	ssyncset.s32 $0xFFFFF086  }
0x25: {  	[simem:s6], [sflag:s4] =	dma.local [hbm:s3], $0xF7A  }
0x26: {  	[smem:$0x3F9B] =	sst s1;
	(tag) =	ssettag s2;
	_ =	strace s9  }
0x27: {  	s1 =	sld [smem:$0x3FAB]  }
0x28: {  	s2 =	sld [smem:$0x3FAC]  }
0x29: {  	s4 =	sld [smem:$0x3FAE]  }
0x2a: {  	p0 =	seq.s32 s5, $0x0;
	s5 =	sld [smem:$0x3FAF]  }
0x2b: {  	s6 =	sld [smem:$0x3FB0]  }
0x2c: {  	s7 =	sld [smem:$0x3FB1]  }
0x2d: {  	s3 =	simm.s32 $0x108;
	s8 =	sld [smem:$0x3FB2]  }
0x2e: {  	s3 =	simm.s32 @!p0 $0x1082;
	s9 =	sld [smem:$0x3FB3]  }
0x2f: {  	lr =	sadd.s32 s0, s3;
	s0 =	sld [smem:$0x3FAA]  }
0x30: {  	s3 =	sld [smem:$0x3FAD]  }
0x31: {  	[smem:$0x3FB6] =	sst s10  }
0x32: {  	s10 =	sld [smem:$0x3FB4];
	_ =	sdelay $0x3  }
0x33: {  	p0 =	seq.s32 s10, $0x1;
	s10 =	sld [smem:$0x3FB6];
	_ =	sdelay $0x3  }
0x34: {  	[smem:$0x3FB6] =	sst s10  }
0x35: {  	s10 =	sld [smem:$0x3FB5];
	_ =	sdelay $0x3  }
0x36: {  	p1 =	seq.s32 s10, $0x1;
	s10 =	sld [smem:$0x3FB6];
	_ =	sdelay $0x3  }
0x37: {  	[smem:$0x3FB6] =	sst s10  }
0x38: {  	s10 =	sld [smem:$0x3FB7]  }
0x39: {  	_ = 	snop;
	(pc) =	sbr.ind lr, $3  }
0x3a: {  	_ = 	snop  }
0x3b: {  	_ = 	snop  }
0x3c: {  	p2 =	seq.s32 s10, $0x1;
	s10 =	sld [smem:$0x3FB6]  }
0x3d: {  	_ =	shalt  }
0x3e: {  	_ =	shalt  }
0x3f: {  	_ =	shalt  }
0x40: {  	_ =	shalt  }
0x41: {  	_ =	shalt  }
0x42: {  	_ =	shalt  }
0x43: {  	_ =	shalt  }
0x44: {  	_ =	shalt  }
0x45: {  	_ =	shalt  }
0x46: {  	_ =	shalt  }
0x47: {  	_ =	shalt  }
0x48: {  	_ =	shalt  }
0x49: {  	_ =	shalt  }
0x4a: {  	_ =	shalt  }
0x4b: {  	_ =	shalt  }
0x4c: {  	_ =	shalt  }
0x4d: {  	_ =	shalt  }
0x4e: {  	_ =	shalt  }
0x4f: {  	_ =	shalt  }
0x50: {  	_ =	shalt  }
0x51: {  	_ =	shalt  }
0x52: {  	_ =	shalt  }
0x53: {  	_ =	shalt  }
0x54: {  	_ =	shalt  }
0x55: {  	_ =	shalt  }
0x56: {  	_ =	shalt  }
0x57: {  	_ =	shalt  }
0x58: {  	_ =	shalt  }
0x59: {  	_ =	shalt  }
0x5a: {  	_ =	shalt  }
0x5b: {  	_ =	shalt  }
0x5c: {  	_ =	shalt  }
0x5d: {  	_ =	shalt  }
0x5e: {  	_ =	shalt  }
0x5f: {  	_ =	shalt  }
0x60: {  	_ =	shalt  }
0x61: {  	_ =	shalt  }
0x62: {  	_ =	shalt  }
0x63: {  	_ =	shalt  }
0x64: {  	_ =	shalt  }
0x65: {  	_ =	shalt  }
0x66: {  	_ =	shalt  }
0x67: {  	_ =	shalt  }
0x68: {  	_ =	shalt  }
0x69: {  	_ =	shalt  }
0x6a: {  	_ =	shalt  }
0x6b: {  	_ =	shalt  }
0x6c: {  	_ =	shalt  }
0x6d: {  	_ =	shalt  }
0x6e: {  	_ =	shalt  }
0x6f: {  	_ =	shalt  }
0x70: {  	_ =	shalt  }
0x71: {  	_ =	shalt  }
0x72: {  	_ =	shalt  }
0x73: {  	_ =	shalt  }
0x74: {  	_ =	shalt  }
0x75: {  	_ =	shalt  }
0x76: {  	_ =	shalt  }
0x77: {  	_ =	shalt  }
0x78: {  	_ =	shalt  }
0x79: {  	_ =	shalt  }
0x7a: {  	_ =	shalt  }
0x7b: {  	_ =	shalt  }
0x7c: {  	_ =	shalt  }
0x7d: {  	_ =	shalt  }
0x7e: {  	_ =	shalt  }
0x7f: {  	_ =	shalt  }
0x80: {  	_ =	shalt  }
0x81: {  	_ =	shalt  }
0x82: {  	_ =	shalt  }
0x83: {  	_ =	shalt  }
0x84: {  	_ =	shalt  }
0x85: {  	_ =	shalt  }
0x86: {  	_ =	shalt  }
0x87: {  	_ =	shalt  }
.Lfunc_end0:
.L_simem_size_0:
called_computation.1_lowered:
.L_overlay_start_0:
0x88: {  	s2 =	sld [smem:$0x3FD9]  }
0x89: {  	s3 =	sld [smem:$0x3FFE];
	_ =	sdelay $0x1  }
0x8a: {  	s1 =	srdreg.scid  }
0x8b: {  	s0 =	sand.u32 $0x1, s1  }
0x8c: {  	s17 =	sshll.u32 s0, $0xA;
	s2 =	sadd.s32 s3, s2  }
0x8d: {  	s2 =	sadd.s32 s2, s17  }
0x8e: {  	[smem:$0x3FC2] =	sst s2  }
0x8f: {  	_ = 	snop  }
0x90: {  	s2 =	sld [smem:$0x3FD0];
	(tm) =	ssettm $0x1  }
0x91: {  	s18 =	sld [smem:$0x3FFB];
	_ =	sdelay $0x3  }
0x92: {  	_ =	strace s18  }
0x93: {  	s3 =	sld [smem:$0x3FFC];
	_ =	sdelay $0x3  }
0x94: {  	_ =	strace s3  }
0x95: {  	s3 =	sld [smem:$0x3FFD];
	_ =	sdelay $0x3  }
0x96: {  	_ =	strace s3  }
0x97: {  	_ =	strace $0x8FFFFFFF  }
0x98: {  	s19 =	sld [smem:$0x3FDB];
	_ =	sdelay $0x1  }
0x99: {  	s4 =	simm.s32 $_scs_section_size  }
0x9a: {  	s5 =	simm.s32 $_size__tile_overlayer_lowered;
	s6 =	simm.s32 $_tile_overlayer_lowered  }
0x9b: {  	s22 =	simm.s32 $0x1BFF;
	s21 =	sshll.u32 s6, $0x1;
	s3 =	sadd.s32 s4, s19  }
0x9c: {  	s7 =	simm.s32 $0x0;
	s20 =	sshll.u32 s5, $0x1;
	s5 =	sadd.s32 s21, s3  }
0x9d: {  	[timem:s7], [sflag:s22] =	dma.local [hbm:s5], s20  }
0x9e: {  	_ =	swait.ge [sflag:s22], s20  }
0x9f: {  	s4 =	ssub.s32 $0x0, s20;
	[sflag:s22] =	ssyncset.done $0x0  }
0xa0: {  	[sflag:s22] =	ssyncadd.s32 s4;
	_ =	sdelay $0x1  }
0xa1: {  	s23 =	simm.s32 $0x1B8B  }
0xa2: {  	_ =	swait.ge [sflag:s23], $0x1  }
0xa3: {  	[sflag:s23] =	ssyncset.done $0x0  }
0xa4: {  	s25 =	simm.s32 $0x1B8E;
	s24 =	sld [smem:$0x3FFE];
	[sflag:s23] =	ssyncadd.s32 $0xFFFFFFFF  }
0xa5: {  	s26 =	simm.s32 $execute0_lowered;
	[smem:$0x3FD2] =	sst s25  }
0xa6: {  	s5 =	sshll.u32 s26, $0x1;
	_ =	strace $0x80000049;
	[dreg:$0x1] =	wrdreg $0xFFFFFFFF  }
0xa7: {  	s28 =	simm.s32 $_size_execute0_lowered;
	s3 =	sadd.s32 s3, s5;
	[dreg:$0x0] =	wrdreg $0x0  }
0xa8: {  	s5 =	sshll.u32 s28, $0x1;
	[dreg:$0x2] =	wrdreg s3  }
0xa9: {  	[dreg:$0x3] =	wrdreg s5  }
0xaa: {  	[dreg:$0x4] =	wrdreg $0xC0  }
0xab: {  	_ =	task [dreg:s7], $0x5FFFF  }
0xac: {  	[dreg:$0x1] =	wrdreg $0xFFFFFFFF  }
0xad: {  	[dreg:$0x0] =	wrdreg $0x60  }
0xae: {  	[dreg:$0x2] =	wrdreg s2  }
0xaf: {  	[dreg:$0x3] =	wrdreg s24  }
0xb0: {  	[dreg:$0x4] =	wrdreg $0x97800  }
0xb1: {  	[dreg:$0x5] =	wrdreg $0x9  }
0xb2: {  	_ =	task.clear_ibuf [dreg:s7], $0x6FFFF;
	_ =	strace $0x90000049  }
0xb3: {  	s29 =	simm.s32 $0x9;
	_ =	strace $0x8000004B  }
0xb4: {  	_ =	swait.ge [sflag:s29], $0x1  }
0xb5: {  	[sflag:s29] =	ssyncadd.s32 $0xFFFFFFFF  }
0xb6: {  	_ =	strace $0x9000004B  }
0xb7: {  	_ =	sfence  }
0xb8: {  	s30 =	sld [smem:$0x0];
	_ =	sdelay $0x2  }
0xb9: {  	s31 =	sshll.u32 s1, $0xD;
	s1 =	sshrl.u32 s1, $0x2  }
0xba: {  	s3 =	sand.u32 $0x4000, s31;
	s1 =	sadd.s32 s1, s30  }
0xbb: {  	s0 =	sor.u32 s3, s0;
	s1 =	sshll.u32 s1, $0x11  }
0xbc: {  	s0 =	sor.u32 s1, s0  }
0xbd: {  	s0 =	sadd.s32 $0x8F2B, s0  }
0xbe: {  	[sflag:s0] =	ssyncadd.remote.s32 $0x1  }
0xbf: {  	_ =	sfence.sel $0xFFFF  }
0xc0: {  	[dreg:$0x0] =	wrdreg $0xFFFFFFFF;
	(pc) =	sbr.abs _section_cstart, $3  }
0xc1: {  	[dreg:$0x1] =	wrdreg $0xFFFFFFFF  }
0xc2: {  	_ =	task.clear_ibuf [dreg:s7], $0x2FFFF;
	_ =	strace $0x9FFFFFFF  }
0xc3: {  	(tm) =	ssettm $0x7FFFFFFF  }
tec
execute0_lowered:
.L_overlay_start_1:
0x0: {  	(tag) =	ssettag $0x1  }
0x1: {  	s0 =	srdreg.scid;
	s5 =	rddreg [dreg:$0x0]  }
0x2: {  	s31 =	stileid.u32;
	s6 =	rddreg [dreg:$0x1]  }
0x3: {  	s13 =	simm.s32 $0x7000;
	s14 =	simm.s32 $0x80;
	s15 =	simm.s32 $0x5000  }
0x4: {  	s16 =	simm.s32 $0x5800;
	s17 =	simm.s32 $0x100;
	s18 =	simm.s32 $0x6000  }
0x5: {  	s19 =	simm.s32 $0x180;
	s20 =	simm.s32 $0x6800;
	s21 =	simm.s32 $0x1  }
0x6: {  	s22 =	simm.s32 $0x2;
	s23 =	simm.s32 $0x3;
	s24 =	simm.s32 $0x4  }
0x7: {  	s25 =	simm.s32 $0x4E00;
	s26 =	simm.s32 $0x4E80;
	s28 =	simm.s32 $0x4F00  }
0x8: {  	s29 =	simm.s32 $0x4F80;
	s30 =	simm.s32 $0x0;
	s1 =	sand.u32 $0x1, s0  }
0x9: {  	s8 =	smul.u32 $0x2780, s31;
	s4 =	sadd.s32 $0xAE00, s6;
	s2 =	sshll.u32 s1, $0x4  }
0xa: {  	s9 =	smul.u32 $0x27800, s1;
	s1 =	ssub.s32 $0x2, s1;
	s3 =	sor.u32 s31, s2  }
0xb: {  	s2 =	rddreg [dreg:$0x2];
	s11 =	sshrl.u32 s8, $0x3;
	s12 =	sshrl.u32 s1, $0x1  }
0xc: {  	s7 =	smul.u32 $0x500, s3;
	s3 =	simm.s32 $0x0;
	s9 =	sadd.s32 s8, s9  }
0xd: {  	s11 =	sadd.s32 s11, s6;
	s1 =	ssub.s32 s1, s12;
	s8 =	sadd.s32 s8, s2  }
0xe: {  	s12 =	simm.s32 $0x2800;
	[smem:$0x7FF] =	sst s3;
	s9 =	sshrl.u32 s9, $0x3  }
0xf: {  	_ =	strace $0x8000004A;
	s10 =	sadd.s32 s7, s6;
	s9 =	sadd.s32 s9, s6  }
0x10: {  	s5 =	sadd.s32 s5, s7;
	s7 =	sadd.s32 $0xFE00, s11;
	s11 =	simm.s32 $0x5  }
0x11: {  	s6 =	sadd.s32 $0xE00, s10;
	s9 =	sadd.s32 $0x14E00, s9;
	s10 =	smax.u32 s1, $0x1  }
.LBB2_1:
0x12: {  	[tilespmem:s3], [sflag:$0x5] =	stream.linear.gather [hbm4b:s5+s3], $0x2800, $0x38;
	[tilespmem:$0xBF00] =	vst v63  }
0x13: {  	_ =	swait.ge [sflag:s11], $0x2800  }
0x14: {  	[sflag:s11] =	ssyncset.done $0x0  }
0x15: {  	[sflag:s11] =	ssyncadd.s32 $0xFFFFD800  }
0x16: {  	[tilespmem:s12], [sflag:$0x5] =	stream.linear.gather [hbm4b:s6+s3], $0x2800, $0x38;
	[tilespmem:$0xBF00] =	vst v63  }
0x17: {  	_ =	swait.ge [sflag:s11], $0x2800  }
0x18: {  	[sflag:s11] =	ssyncset.done $0x0  }
0x19: {  	[sflag:s11] =	ssyncadd.s32 $0xFFFFD800  }
0x1a: {  	[tilespmem:s13], [sflag:$0x5] =	stream.linear.gather [hbm4b:s7+s3], $0x2780, $0x38;
	[tilespmem:$0xBF00] =	vst v63  }
0x1b: {  	_ =	swait.ge [sflag:s11], $0x2780  }
0x1c: {  	[sflag:s11] =	ssyncset.done $0x0  }
0x1d: {  	[sflag:s11] =	ssyncadd.s32 $0xFFFFD880  }
0x1e: {  	[spmem:s8] =	stream.linear.scatter [tilespmem:s13], [sflag:$0x5], $0x2780, $0x38;
	[tilespmem:$0xBF00] =	vst v63  }
0x1f: {  	_ =	swait.ge [sflag:s11], $0x2780  }
0x20: {  	[sflag:s11] =	ssyncset.done $0x0  }
0x21: {  	[sflag:s11] =	ssyncadd.s32 $0xFFFFD880  }
0x22: {  	[bflag:$0x0] =	sbarrier.arrive $0xFFFF  }
0x23: {  	[tilespmem:s15], [sflag:$0x1] =	stream.indirect.gather [hbm4b:s4+s14], $0x10, s3, s14, $0xb8;
	[tilespmem:$0xBF00] =	vst v63  }
0x24: {  	_ = 	snop  }
0x25: {  	[tilespmem:s16], [sflag:$0x2] =	stream.indirect.gather [hbm4b:s4+s14], $0x10, s14, s14, $0xb8;
	[tilespmem:$0xBF00] =	vst v63  }
0x26: {  	_ = 	snop  }
0x27: {  	[tilespmem:s18], [sflag:$0x3] =	stream.indirect.gather [hbm4b:s4+s14], $0x10, s17, s14, $0xb8;
	[tilespmem:$0xBF00] =	vst v63  }
0x28: {  	_ = 	snop  }
0x29: {  	[tilespmem:s20], [sflag:$0x4] =	stream.indirect.gather [hbm4b:s4+s14], $0x10, s19, s14, $0xb8;
	[tilespmem:$0xBF00] =	vst v63  }
0x2a: {  	_ =	swait.ge [sflag:s21], $0x800  }
0x2b: {  	[sflag:s21] =	ssyncset.done $0x0  }
0x2c: {  	s1 =	simm.s32 $0x2800;
	[sflag:s21] =	ssyncadd.s32 $0xFFFFF800  }
0x2d: {  	[spmem:s2] =	stream.indirect.scatter.add.f32 [tilespmem:s15], [sflag:$0x5], $0x10, s1, s14, $0xb8;
	[tilespmem:$0xBF00] =	vst v63  }
0x2e: {  	_ =	swait.ge [sflag:s11], $0x800  }
0x2f: {  	[sflag:s11] =	ssyncset.done $0x0  }
0x30: {  	s0 =	simm.s32 $0x200;
	[sflag:s11] =	ssyncadd.s32 $0xFFFFF800  }
0x31: {  	[tilespmem:s15], [sflag:$0x1] =	stream.indirect.gather [hbm4b:s4+s14], $0x10, s0, s14, $0xb8;
	[tilespmem:$0xBF00] =	vst v63  }
0x32: {  	_ =	swait.ge [sflag:s22], $0x800  }
0x33: {  	[sflag:s22] =	ssyncset.done $0x0  }
0x34: {  	s0 =	simm.s32 $0x2880;
	[sflag:s22] =	ssyncadd.s32 $0xFFFFF800  }
0x35: {  	[spmem:s2] =	stream.indirect.scatter.add.f32 [tilespmem:s16], [sflag:$0x5], $0x10, s0, s14, $0xb8;
	[tilespmem:$0xBF00] =	vst v63  }
0x36: {  	_ =	swait.ge [sflag:s11], $0x800  }
0x37: {  	[sflag:s11] =	ssyncset.done $0x0  }
0x38: {  	s0 =	simm.s32 $0x280;
	[sflag:s11] =	ssyncadd.s32 $0xFFFFF800  }
0x39: {  	[tilespmem:s16], [sflag:$0x2] =	stream.indirect.gather [hbm4b:s4+s14], $0x10, s0, s14, $0xb8;
	[tilespmem:$0xBF00] =	vst v63  }
0x3a: {  	_ =	swait.ge [sflag:s23], $0x800  }
0x3b: {  	[sflag:s23] =	ssyncset.done $0x0  }
0x3c: {  	s0 =	simm.s32 $0x2900;
	[sflag:s23] =	ssyncadd.s32 $0xFFFFF800  }
0x3d: {  	[spmem:s2] =	stream.indirect.scatter.add.f32 [tilespmem:s18], [sflag:$0x5], $0x10, s0, s14, $0xb8;
	[tilespmem:$0xBF00] =	vst v63  }
0x3e: {  	_ =	swait.ge [sflag:s11], $0x800  }
0x3f: {  	[sflag:s11] =	ssyncset.done $0x0  }
0x40: {  	s0 =	simm.s32 $0x300;
	[sflag:s11] =	ssyncadd.s32 $0xFFFFF800  }
0x41: {  	[tilespmem:s18], [sflag:$0x3] =	stream.indirect.gather [hbm4b:s4+s14], $0x10, s0, s14, $0xb8;
	[tilespmem:$0xBF00] =	vst v63  }
0x42: {  	_ =	swait.ge [sflag:s24], $0x800  }
0x43: {  	[sflag:s24] =	ssyncset.done $0x0  }
0x44: {  	s0 =	simm.s32 $0x2980;
	[sflag:s24] =	ssyncadd.s32 $0xFFFFF800  }
0x45: {  	[spmem:s2] =	stream.indirect.scatter.add.f32 [tilespmem:s20], [sflag:$0x5], $0x10, s0, s14, $0xb8;
	[tilespmem:$0xBF00] =	vst v63  }
0x46: {  	_ =	swait.ge [sflag:s11], $0x800  }
0x47: {  	[sflag:s11] =	ssyncset.done $0x0  }
0x48: {  	s31 =	simm.s32 $0x800;
	s1 =	simm.s32 $0x380;
	[sflag:s11] =	ssyncadd.s32 $0xFFFFF800  }
.LBB2_2:
0x49: {  	[tilespmem:s20], [sflag:$0x4] =	stream.indirect.gather [hbm4b:s4+s14], $0x10, s1, s14, $0xb8;
	[tilespmem:$0xBF00] =	vst v63  }
0x4a: {  	s1 =	smov.u32 s31  }
0x4b: {  	p0 =	sne.s32 s31, $0x9000;
	s31 =	sadd.s32 $0x800, s31;
	_ =	swait.ge [sflag:s21], $0x800  }
0x4c: {  	s1 =	sshra.s32 s1, $0x2;
	[sflag:s21] =	ssyncset.done $0x0  }
0x4d: {  	s0 =	sadd.s32 $0x2800, s1;
	[sflag:s21] =	ssyncadd.s32 $0xFFFFF800  }
0x4e: {  	[spmem:s2] =	stream.indirect.scatter.add.f32 [tilespmem:s15], [sflag:$0x5], $0x10, s0, s14, $0xb8;
	[tilespmem:$0xBF00] =	vst v63  }
0x4f: {  	_ =	swait.ge [sflag:s11], $0x800  }
0x50: {  	[sflag:s11] =	ssyncset.done $0x0  }
0x51: {  	s0 =	sadd.s32 $0x200, s1;
	[sflag:s11] =	ssyncadd.s32 $0xFFFFF800  }
0x52: {  	[tilespmem:s15], [sflag:$0x1] =	stream.indirect.gather [hbm4b:s4+s14], $0x10, s0, s14, $0xb8;
	[tilespmem:$0xBF00] =	vst v63  }
0x53: {  	_ =	swait.ge [sflag:s22], $0x800  }
0x54: {  	[sflag:s22] =	ssyncset.done $0x0  }
0x55: {  	s0 =	sadd.s32 $0x2880, s1;
	[sflag:s22] =	ssyncadd.s32 $0xFFFFF800  }
0x56: {  	[spmem:s2] =	stream.indirect.scatter.add.f32 [tilespmem:s16], [sflag:$0x5], $0x10, s0, s14, $0xb8;
	[tilespmem:$0xBF00] =	vst v63  }
0x57: {  	_ =	swait.ge [sflag:s11], $0x800  }
0x58: {  	[sflag:s11] =	ssyncset.done $0x0  }
0x59: {  	s0 =	sadd.s32 $0x280, s1;
	[sflag:s11] =	ssyncadd.s32 $0xFFFFF800  }
0x5a: {  	[tilespmem:s16], [sflag:$0x2] =	stream.indirect.gather [hbm4b:s4+s14], $0x10, s0, s14, $0xb8;
	[tilespmem:$0xBF00] =	vst v63  }
0x5b: {  	_ =	swait.ge [sflag:s23], $0x800  }
0x5c: {  	[sflag:s23] =	ssyncset.done $0x0  }
0x5d: {  	s0 =	sadd.s32 $0x2900, s1;
	[sflag:s23] =	ssyncadd.s32 $0xFFFFF800  }
0x5e: {  	[spmem:s2] =	stream.indirect.scatter.add.f32 [tilespmem:s18], [sflag:$0x5], $0x10, s0, s14, $0xb8;
	[tilespmem:$0xBF00] =	vst v63  }
0x5f: {  	_ =	swait.ge [sflag:s11], $0x800  }
0x60: {  	[sflag:s11] =	ssyncset.done $0x0  }
0x61: {  	s0 =	sadd.s32 $0x300, s1;
	[sflag:s11] =	ssyncadd.s32 $0xFFFFF800  }
0x62: {  	[tilespmem:s18], [sflag:$0x3] =	stream.indirect.gather [hbm4b:s4+s14], $0x10, s0, s14, $0xb8;
	[tilespmem:$0xBF00] =	vst v63  }
0x63: {  	_ =	swait.ge [sflag:s24], $0x800  }
0x64: {  	[sflag:s24] =	ssyncset.done $0x0  }
.Ltmp0:
0x65: {  	s0 =	sadd.s32 $0x2980, s1;
	[sflag:s24] =	ssyncadd.s32 $0xFFFFF800;
	(pc) =	sbr.rel @p0 .LBB2_2-.Ltmp0, $4  }
0x66: {  	[spmem:s2] =	stream.indirect.scatter.add.f32 [tilespmem:s20], [sflag:$0x5], $0x10, s0, s14, $0xb8;
	[tilespmem:$0xBF00] =	vst v63  }
0x67: {  	_ =	swait.ge [sflag:s11], $0x800  }
0x68: {  	[sflag:s11] =	ssyncset.done $0x0  }
0x69: {  	s1 =	sadd.s32 $0x380, s1;
	[sflag:s11] =	ssyncadd.s32 $0xFFFFF800  }
0x6a: {  	[tilespmem:s20], [sflag:$0x4] =	stream.indirect.gather [hbm4b:s4+s14], $0x10, s1, s14, $0xb8;
	[tilespmem:$0xBF00] =	vst v63  }
0x6b: {  	_ =	swait.ge [sflag:s21], $0x800  }
0x6c: {  	[sflag:s21] =	ssyncset.done $0x0  }
0x6d: {  	[sflag:s21] =	ssyncadd.s32 $0xFFFFF800  }
0x6e: {  	[spmem:s2] =	stream.indirect.scatter.add.f32 [tilespmem:s15], [sflag:$0x5], $0x10, s25, s14, $0xb8;
	[tilespmem:$0xBF00] =	vst v63  }
0x6f: {  	_ =	swait.ge [sflag:s11], $0x800  }
0x70: {  	[sflag:s11] =	ssyncset.done $0x0  }
0x71: {  	[sflag:s11] =	ssyncadd.s32 $0xFFFFF800  }
0x72: {  	_ =	swait.ge [sflag:s22], $0x800  }
0x73: {  	[sflag:s22] =	ssyncset.done $0x0  }
0x74: {  	[sflag:s22] =	ssyncadd.s32 $0xFFFFF800  }
0x75: {  	[spmem:s2] =	stream.indirect.scatter.add.f32 [tilespmem:s16], [sflag:$0x5], $0x10, s26, s14, $0xb8;
	[tilespmem:$0xBF00] =	vst v63  }
0x76: {  	_ =	swait.ge [sflag:s11], $0x800  }
0x77: {  	[sflag:s11] =	ssyncset.done $0x0  }
0x78: {  	[sflag:s11] =	ssyncadd.s32 $0xFFFFF800  }
0x79: {  	_ =	swait.ge [sflag:s23], $0x800  }
0x7a: {  	[sflag:s23] =	ssyncset.done $0x0  }
0x7b: {  	[sflag:s23] =	ssyncadd.s32 $0xFFFFF800  }
0x7c: {  	[spmem:s2] =	stream.indirect.scatter.add.f32 [tilespmem:s18], [sflag:$0x5], $0x10, s28, s14, $0xb8;
	[tilespmem:$0xBF00] =	vst v63  }
0x7d: {  	_ =	swait.ge [sflag:s11], $0x800  }
0x7e: {  	[sflag:s11] =	ssyncset.done $0x0  }
0x7f: {  	[sflag:s11] =	ssyncadd.s32 $0xFFFFF800  }
0x80: {  	_ =	swait.ge [sflag:s24], $0x800  }
0x81: {  	[sflag:s24] =	ssyncset.done $0x0  }
0x82: {  	[sflag:s24] =	ssyncadd.s32 $0xFFFFF800  }
0x83: {  	[spmem:s2] =	stream.indirect.scatter.add.f32 [tilespmem:s20], [sflag:$0x5], $0x10, s29, s14, $0xb8;
	[tilespmem:$0xBF00] =	vst v63  }
0x84: {  	_ =	swait.ge [sflag:s11], $0x800  }
0x85: {  	[sflag:s11] =	ssyncset.done $0x0  }
0x86: {  	[sflag:s11] =	ssyncadd.s32 $0xFFFFF800  }
0x87: {  	[bflag:$0x0] =	sbarrier.arrive $0xFFFF  }
0x88: {  	[tilespmem:s13], [sflag:$0x5] =	stream.linear.gather [spmem:s8], $0x2780, $0x38;
	[tilespmem:$0xBF00] =	vst v63  }
0x89: {  	s30 =	sadd.s32 $0x1, s30;
	_ =	swait.ge [sflag:s11], $0x2780  }
0x8a: {  	p0 =	sne.s32 s30, s10;
	[sflag:s11] =	ssyncset.done $0x0  }
.Ltmp1:
0x8b: {  	[sflag:s11] =	ssyncadd.s32 $0xFFFFD880;
	(pc) =	sbr.rel @p0 .LBB2_1-.Ltmp1, $4  }
0x8c: {  	[hbm4b:s9+s3] =	stream.linear.scatter [tilespmem:s13], [sflag:$0x5], $0x2780, $0x38;
	[tilespmem:$0xBF00] =	vst v63  }
0x8d: {  	_ =	swait.ge [sflag:s11], $0x2780  }
0x8e: {  	[sflag:s11] =	ssyncset.done $0x0  }
0x8f: {  	[sflag:s11] =	ssyncadd.s32 $0xFFFFD880  }
0x90: {  	_ =	sfence.sel $0x180000  }
0x91: {  	[bflag:$0x0] =	sbarrier.arrive $0xFFFF  }
0x92: {  	_ =	strace $0x9000004A  }
0x93: {  	s0 =	stileid.u32;
	[bflag:$0x2] =	sbarrier.arrive $0xFFFF  }
0x94: {  	p0 =	sne.s32 s0, $0x0;
	s0 =	rddreg [dreg:$0x3]  }
0x95: {  	s0 =	sadd.s32 @!p0 $0x100000, s0  }
0x96: {  	[sflag:s0] =	ssyncadd.tile.s32 @!p0 $0x1;
	_ =	shalt  }
.Lfunc_end2:
_tile_overlayer_lowered:
.L_overlay_start_2:
0x97: {  	(tag) =	ssettag $0x2  }
0x98: {  	s0 =	rddreg [dreg:$0x0];
	s2 =	stileid.u32  }
0x99: {  	s1 =	rddreg [dreg:$0x1];
	p0 =	sne.s32 s2, $0x0  }
0x9a: {  	s3 =	rddreg [dreg:$0x2];
	[bflag:$0x3] =	sbarrier.arrive $0xFFFF;
	s2 =	simm.s32 @!p0 $0x1C05  }
0x9b: {  	[timem:s3], [sflag:s2] =	dma.local @!p0 [hbm:s0], s1  }
0x9c: {  	s0 =	simm.s32 @!p0 $0x5  }
0x9d: {  	_ =	swait.ge @!p0 [sflag:s0], s1  }
0x9e: {  	s1 =	ssub.s32 @!p0 $0x0, s1;
	[sflag:s0] =	ssyncset.done @!p0 $0x0  }
0x9f: {  	[sflag:s0] =	ssyncadd.s32 @!p0 s1  }
0xa0: {  	[bflag:$0x3] =	sbarrier.arrive $0xFFFF  }
0xa1: {  	_ =	shalt  }

// kernel: kernel.14.cloned.1.call-start
scs
__scs_entry_jumppad:
0x0: {  	(pc) =	sbr.rel $0x88, $3  }
0x1: {  	(tag) =	ssettag $0x0;
	lr =	simm.s32 $0x1  }
0x2: {  	[smem:$0x3F9B] =	sst lr;
	_ =	strace $0xD0000000  }
0x3: {  	_ = 	snop  }
0x4: {  	_ = 	snop  }
0x5: {  	_ = 	snop  }
0x6: {  	_ = 	snop  }
0x7: {  	_ = 	snop  }
__scs_overlays_trampoline_lowered:
0x8: {  	[smem:$0x3FAA] =	sst s0  }
0x9: {  	[smem:$0x3FAB] =	sst s1  }
0xa: {  	[smem:$0x3FAC] =	sst s2  }
0xb: {  	[smem:$0x3FAD] =	sst s3  }
0xc: {  	[smem:$0x3FAE] =	sst s4  }
0xd: {  	[smem:$0x3FAF] =	sst s5  }
0xe: {  	[smem:$0x3FB0] =	sst s6  }
0xf: {  	[smem:$0x3FB1] =	sst s7  }
0x10: {  	[smem:$0x3FB2] =	sst s8  }
0x11: {  	[smem:$0x3FB3] =	sst s9;
	s0 =	simm.s32 @!p0 $0x0  }
0x12: {  	s1 =	sld [smem:$0x3F99];
	s0 =	simm.s32 @p0 $0x1  }
0x13: {  	[smem:$0x3FB4] =	sst s0;
	s0 =	simm.s32 @!p1 $0x0  }
0x14: {  	s2 =	sld [smem:$0x3F98];
	s0 =	simm.s32 @p1 $0x1  }
0x15: {  	[smem:$0x3FB5] =	sst s0;
	s0 =	simm.s32 @!p2 $0x0  }
0x16: {  	s3 =	sld [smem:$0x3FDB];
	s0 =	simm.s32 @p2 $0x1  }
0x17: {  	s4 =	simm.s32 $0x1BF5;
	[smem:$0x3FB7] =	sst s0  }
0x18: {  	s0 =	sld [smem:$0x3F9A];
	_ =	swait.ge [sflag:s4], $0x0  }
0x19: {  	s7 =	sld [smem:$0x3F9B]  }
0x1a: {  	s8 =	sadd.s32 $0xFFFFE003, lr  }
0x1b: {  	s9 =	sadd.s32 $0xFFFFFEF7, lr;
	s5 =	simm.s32 $0xFFFFFFFF;
	p2 =	slt.u32 s8, $0xFFFFF086  }
0x1c: {  	p1 =	slt.u32 s9, $0xF7A;
	s5 =	simm.s32 @!p2 $0x0  }
0x1d: {  	s5 =	simm.s32 @p1 $0x1;
	p0 =	seq.s32 s7, s2  }
0x1e: {  	s7 =	smul.u32 @!p0 $0xF7A, s2;
	p2 =	seq.s32 @!p0 s5, $0x0  }
0x1f: {  	s9 =	smul.u32 $0xF7A, s1;
	s8 =	simm.s32 @!p0 $0x1BF5;
	p2 =	por !p2, p0  }
0x20: {  	[sflag:s8] =	ssyncset.s32 @!p0 $0xFFFFF086;
	s6 =	sadd.s32 @!p0 s3, s7;
	s7 =	simm.s32 @!p0 $0x108  }
0x21: {  	s3 =	sadd.s32 s3, s9;
	s6 =	sadd.s32 @!p0 $0x88, s6;
	s7 =	simm.s32 @p2 $0x1082  }
0x22: {  	[simem:s7], [sflag:s8] =	dma.local @!p0 [hbm:s6], $0xF7A  }
0x23: {  	s9 =	sor.u32 $0xD0000000, s2;
	s6 =	simm.s32 $0x108;
	_ =	swait.ge @!p0 [sflag:s8], $0x0  }
0x24: {  	s3 =	sadd.s32 $0x88, s3;
	s6 =	simm.s32 @!p1 $0x1082;
	[sflag:s4] =	ssyncset.s32 $0xFFFFF086  }
0x25: {  	[simem:s6], [sflag:s4] =	dma.local [hbm:s3], $0xF7A  }
0x26: {  	[smem:$0x3F9B] =	sst s1;
	(tag) =	ssettag s2;
	_ =	strace s9  }
0x27: {  	s1 =	sld [smem:$0x3FAB]  }
0x28: {  	s2 =	sld [smem:$0x3FAC]  }
0x29: {  	s4 =	sld [smem:$0x3FAE]  }
0x2a: {  	p0 =	seq.s32 s5, $0x0;
	s5 =	sld [smem:$0x3FAF]  }
0x2b: {  	s6 =	sld [smem:$0x3FB0]  }
0x2c: {  	s7 =	sld [smem:$0x3FB1]  }
0x2d: {  	s3 =	simm.s32 $0x108;
	s8 =	sld [smem:$0x3FB2]  }
0x2e: {  	s3 =	simm.s32 @!p0 $0x1082;
	s9 =	sld [smem:$0x3FB3]  }
0x2f: {  	lr =	sadd.s32 s0, s3;
	s0 =	sld [smem:$0x3FAA]  }
0x30: {  	s3 =	sld [smem:$0x3FAD]  }
0x31: {  	[smem:$0x3FB6] =	sst s10  }
0x32: {  	s10 =	sld [smem:$0x3FB4];
	_ =	sdelay $0x3  }
0x33: {  	p0 =	seq.s32 s10, $0x1;
	s10 =	sld [smem:$0x3FB6];
	_ =	sdelay $0x3  }
0x34: {  	[smem:$0x3FB6] =	sst s10  }
0x35: {  	s10 =	sld [smem:$0x3FB5];
	_ =	sdelay $0x3  }
0x36: {  	p1 =	seq.s32 s10, $0x1;
	s10 =	sld [smem:$0x3FB6];
	_ =	sdelay $0x3  }
0x37: {  	[smem:$0x3FB6] =	sst s10  }
0x38: {  	s10 =	sld [smem:$0x3FB7]  }
0x39: {  	_ = 	snop;
	(pc) =	sbr.ind lr, $3  }
0x3a: {  	_ = 	snop  }
0x3b: {  	_ = 	snop  }
0x3c: {  	p2 =	seq.s32 s10, $0x1;
	s10 =	sld [smem:$0x3FB6]  }
0x3d: {  	_ =	shalt  }
0x3e: {  	_ =	shalt  }
0x3f: {  	_ =	shalt  }
0x40: {  	_ =	shalt  }
0x41: {  	_ =	shalt  }
0x42: {  	_ =	shalt  }
0x43: {  	_ =	shalt  }
0x44: {  	_ =	shalt  }
0x45: {  	_ =	shalt  }
0x46: {  	_ =	shalt  }
0x47: {  	_ =	shalt  }
0x48: {  	_ =	shalt  }
0x49: {  	_ =	shalt  }
0x4a: {  	_ =	shalt  }
0x4b: {  	_ =	shalt  }
0x4c: {  	_ =	shalt  }
0x4d: {  	_ =	shalt  }
0x4e: {  	_ =	shalt  }
0x4f: {  	_ =	shalt  }
0x50: {  	_ =	shalt  }
0x51: {  	_ =	shalt  }
0x52: {  	_ =	shalt  }
0x53: {  	_ =	shalt  }
0x54: {  	_ =	shalt  }
0x55: {  	_ =	shalt  }
0x56: {  	_ =	shalt  }
0x57: {  	_ =	shalt  }
0x58: {  	_ =	shalt  }
0x59: {  	_ =	shalt  }
0x5a: {  	_ =	shalt  }
0x5b: {  	_ =	shalt  }
0x5c: {  	_ =	shalt  }
0x5d: {  	_ =	shalt  }
0x5e: {  	_ =	shalt  }
0x5f: {  	_ =	shalt  }
0x60: {  	_ =	shalt  }
0x61: {  	_ =	shalt  }
0x62: {  	_ =	shalt  }
0x63: {  	_ =	shalt  }
0x64: {  	_ =	shalt  }
0x65: {  	_ =	shalt  }
0x66: {  	_ =	shalt  }
0x67: {  	_ =	shalt  }
0x68: {  	_ =	shalt  }
0x69: {  	_ =	shalt  }
0x6a: {  	_ =	shalt  }
0x6b: {  	_ =	shalt  }
0x6c: {  	_ =	shalt  }
0x6d: {  	_ =	shalt  }
0x6e: {  	_ =	shalt  }
0x6f: {  	_ =	shalt  }
0x70: {  	_ =	shalt  }
0x71: {  	_ =	shalt  }
0x72: {  	_ =	shalt  }
0x73: {  	_ =	shalt  }
0x74: {  	_ =	shalt  }
0x75: {  	_ =	shalt  }
0x76: {  	_ =	shalt  }
0x77: {  	_ =	shalt  }
0x78: {  	_ =	shalt  }
0x79: {  	_ =	shalt  }
0x7a: {  	_ =	shalt  }
0x7b: {  	_ =	shalt  }
0x7c: {  	_ =	shalt  }
0x7d: {  	_ =	shalt  }
0x7e: {  	_ =	shalt  }
0x7f: {  	_ =	shalt  }
0x80: {  	_ =	shalt  }
0x81: {  	_ =	shalt  }
0x82: {  	_ =	shalt  }
0x83: {  	_ =	shalt  }
0x84: {  	_ =	shalt  }
0x85: {  	_ =	shalt  }
0x86: {  	_ =	shalt  }
0x87: {  	_ =	shalt  }
.Lfunc_end0:
.L_simem_size_0:
called_computation.2_lowered:
.L_overlay_start_0:
0x88: {  	s2 =	sld [smem:$0x3FD9]  }
0x89: {  	s3 =	sld [smem:$0x3FFE];
	_ =	sdelay $0x1  }
0x8a: {  	s1 =	srdreg.scid  }
0x8b: {  	s0 =	sand.u32 $0x1, s1  }
0x8c: {  	s17 =	sshll.u32 s0, $0xA;
	s2 =	sadd.s32 s3, s2  }
0x8d: {  	s2 =	sadd.s32 s2, s17  }
0x8e: {  	[smem:$0x3FC2] =	sst s2  }
0x8f: {  	_ = 	snop  }
0x90: {  	s2 =	sld [smem:$0x3FD0];
	(tm) =	ssettm $0x1  }
0x91: {  	s18 =	sld [smem:$0x3FFB];
	_ =	sdelay $0x3  }
0x92: {  	_ =	strace s18  }
0x93: {  	s3 =	sld [smem:$0x3FFC];
	_ =	sdelay $0x3  }
0x94: {  	_ =	strace s3  }
0x95: {  	s3 =	sld [smem:$0x3FFD];
	_ =	sdelay $0x3  }
0x96: {  	_ =	strace s3  }
0x97: {  	_ =	strace $0x8FFFFFFF  }
0x98: {  	s19 =	sld [smem:$0x3FDB];
	_ =	sdelay $0x1  }
0x99: {  	s4 =	simm.s32 $_scs_section_size  }
0x9a: {  	s5 =	simm.s32 $_size__tile_overlayer_lowered;
	s6 =	simm.s32 $_tile_overlayer_lowered  }
0x9b: {  	s22 =	simm.s32 $0x1BFF;
	s21 =	sshll.u32 s6, $0x1;
	s3 =	sadd.s32 s4, s19  }
0x9c: {  	s7 =	simm.s32 $0x0;
	s20 =	sshll.u32 s5, $0x1;
	s5 =	sadd.s32 s21, s3  }
0x9d: {  	[timem:s7], [sflag:s22] =	dma.local [hbm:s5], s20  }
0x9e: {  	_ =	swait.ge [sflag:s22], s20  }
0x9f: {  	s4 =	ssub.s32 $0x0, s20;
	[sflag:s22] =	ssyncset.done $0x0  }
0xa0: {  	[sflag:s22] =	ssyncadd.s32 s4;
	_ =	sdelay $0x1  }
0xa1: {  	s23 =	simm.s32 $0x1B8B  }
0xa2: {  	_ =	swait.ge [sflag:s23], $0x1  }
0xa3: {  	[sflag:s23] =	ssyncset.done $0x0  }
0xa4: {  	s25 =	simm.s32 $0x1B8E;
	s24 =	sld [smem:$0x3FFE];
	[sflag:s23] =	ssyncadd.s32 $0xFFFFFFFF  }
0xa5: {  	s26 =	simm.s32 $execute0_lowered;
	[smem:$0x3FD2] =	sst s25  }
0xa6: {  	s5 =	sshll.u32 s26, $0x1;
	_ =	strace $0x8000004C;
	[dreg:$0x1] =	wrdreg $0xFFFFFFFF  }
0xa7: {  	s28 =	simm.s32 $_size_execute0_lowered;
	s3 =	sadd.s32 s3, s5;
	[dreg:$0x0] =	wrdreg $0x0  }
0xa8: {  	s5 =	sshll.u32 s28, $0x1;
	[dreg:$0x2] =	wrdreg s3  }
0xa9: {  	[dreg:$0x3] =	wrdreg s5  }
0xaa: {  	[dreg:$0x4] =	wrdreg $0xC0  }
0xab: {  	_ =	task [dreg:s7], $0x5FFFF  }
0xac: {  	[dreg:$0x1] =	wrdreg $0xFFFFFFFF  }
0xad: {  	[dreg:$0x0] =	wrdreg $0x60  }
0xae: {  	[dreg:$0x2] =	wrdreg s2  }
0xaf: {  	[dreg:$0x3] =	wrdreg s24  }
0xb0: {  	[dreg:$0x4] =	wrdreg $0x126800  }
0xb1: {  	[dreg:$0x5] =	wrdreg $0x9  }
0xb2: {  	_ =	task.clear_ibuf [dreg:s7], $0x6FFFF;
	_ =	strace $0x9000004C  }
0xb3: {  	s29 =	simm.s32 $0x9;
	_ =	strace $0x8000004E  }
0xb4: {  	_ =	swait.ge [sflag:s29], $0x1  }
0xb5: {  	[sflag:s29] =	ssyncadd.s32 $0xFFFFFFFF  }
0xb6: {  	_ =	strace $0x9000004E  }
0xb7: {  	_ =	sfence  }
0xb8: {  	s30 =	sld [smem:$0x0];
	_ =	sdelay $0x2  }
0xb9: {  	s31 =	sshll.u32 s1, $0xD;
	s1 =	sshrl.u32 s1, $0x2  }
0xba: {  	s3 =	sand.u32 $0x4000, s31;
	s1 =	sadd.s32 s1, s30  }
0xbb: {  	s0 =	sor.u32 s3, s0;
	s1 =	sshll.u32 s1, $0x11  }
0xbc: {  	s0 =	sor.u32 s1, s0  }
0xbd: {  	s0 =	sadd.s32 $0x8F2B, s0  }
0xbe: {  	[sflag:s0] =	ssyncadd.remote.s32 $0x1  }
0xbf: {  	_ =	sfence.sel $0xFFFF  }
0xc0: {  	[dreg:$0x0] =	wrdreg $0xFFFFFFFF;
	(pc) =	sbr.abs _section_cstart, $3  }
0xc1: {  	[dreg:$0x1] =	wrdreg $0xFFFFFFFF  }
0xc2: {  	_ =	task.clear_ibuf [dreg:s7], $0x2FFFF;
	_ =	strace $0x9FFFFFFF  }
0xc3: {  	(tm) =	ssettm $0x7FFFFFFF  }
tec
execute0_lowered:
.L_overlay_start_1:
0x0: {  	(tag) =	ssettag $0x1  }
0x1: {  	s0 =	srdreg.scid;
	s5 =	rddreg [dreg:$0x0]  }
0x2: {  	s31 =	stileid.u32;
	s6 =	rddreg [dreg:$0x1]  }
0x3: {  	s13 =	simm.s32 $0xB000;
	s14 =	simm.s32 $0x80;
	s15 =	simm.s32 $0x5000  }
0x4: {  	s16 =	simm.s32 $0x6800;
	s17 =	simm.s32 $0x100;
	s18 =	simm.s32 $0x8000  }
0x5: {  	s19 =	simm.s32 $0x180;
	s20 =	simm.s32 $0x9800;
	s21 =	simm.s32 $0x1  }
0x6: {  	s22 =	simm.s32 $0x2;
	s23 =	simm.s32 $0x3;
	s24 =	simm.s32 $0x4  }
0x7: {  	s25 =	simm.s32 $0x4E00;
	s26 =	simm.s32 $0x4E80;
	s28 =	simm.s32 $0x4F00  }
0x8: {  	s29 =	simm.s32 $0x4F80;
	s30 =	simm.s32 $0x0;
	s1 =	sand.u32 $0x1, s0  }
0x9: {  	s8 =	smul.u32 $0x7680, s31;
	s4 =	sadd.s32 $0xAE00, s6;
	s2 =	sshll.u32 s1, $0x4  }
0xa: {  	s9 =	smul.u32 $0x76800, s1;
	s1 =	ssub.s32 $0x2, s1;
	s3 =	sor.u32 s31, s2  }
0xb: {  	s2 =	rddreg [dreg:$0x2];
	s11 =	sshrl.u32 s8, $0x3;
	s12 =	sshrl.u32 s1, $0x1  }
0xc: {  	s7 =	smul.u32 $0x500, s3;
	s3 =	simm.s32 $0x0;
	s9 =	sadd.s32 s8, s9  }
0xd: {  	s11 =	sadd.s32 s11, s6;
	s1 =	ssub.s32 s1, s12;
	s8 =	sadd.s32 s8, s2  }
0xe: {  	s12 =	simm.s32 $0x2800;
	[smem:$0x7FF] =	sst s3;
	s9 =	sshrl.u32 s9, $0x3  }
0xf: {  	_ =	strace $0x8000004D;
	s10 =	sadd.s32 s7, s6;
	s9 =	sadd.s32 s9, s6  }
0x10: {  	s5 =	sadd.s32 s5, s7;
	s7 =	sadd.s32 $0x19C00, s11;
	s11 =	simm.s32 $0x5  }
0x11: {  	s6 =	sadd.s32 $0xE00, s10;
	s9 =	sadd.s32 $0x28A00, s9;
	s10 =	smax.u32 s1, $0x1  }
.LBB2_1:
0x12: {  	[tilespmem:s3], [sflag:$0x5] =	stream.linear.gather [hbm4b:s5+s3], $0x2800, $0x38;
	[tilespmem:$0x19D00] =	vst v63  }
0x13: {  	_ =	swait.ge [sflag:s11], $0x2800  }
0x14: {  	[sflag:s11] =	ssyncset.done $0x0  }
0x15: {  	[sflag:s11] =	ssyncadd.s32 $0xFFFFD800  }
0x16: {  	[tilespmem:s12], [sflag:$0x5] =	stream.linear.gather [hbm4b:s6+s3], $0x2800, $0x38;
	[tilespmem:$0x19D00] =	vst v63  }
0x17: {  	_ =	swait.ge [sflag:s11], $0x2800  }
0x18: {  	[sflag:s11] =	ssyncset.done $0x0  }
0x19: {  	[sflag:s11] =	ssyncadd.s32 $0xFFFFD800  }
0x1a: {  	[tilespmem:s13], [sflag:$0x5] =	stream.linear.gather [hbm4b:s7+s3], $0x7680, $0x38;
	[tilespmem:$0x19D00] =	vst v63  }
0x1b: {  	_ =	swait.ge [sflag:s11], $0x7680  }
0x1c: {  	[sflag:s11] =	ssyncset.done $0x0  }
0x1d: {  	[sflag:s11] =	ssyncadd.s32 $0xFFFF8980  }
0x1e: {  	[spmem:s8] =	stream.linear.scatter [tilespmem:s13], [sflag:$0x5], $0x7680, $0x38;
	[tilespmem:$0x19D00] =	vst v63  }
0x1f: {  	_ =	swait.ge [sflag:s11], $0x7680  }
0x20: {  	[sflag:s11] =	ssyncset.done $0x0  }
0x21: {  	[sflag:s11] =	ssyncadd.s32 $0xFFFF8980  }
0x22: {  	[bflag:$0x0] =	sbarrier.arrive $0xFFFF  }
0x23: {  	[tilespmem:s15], [sflag:$0x1] =	stream.indirect.gather [hbm4b:s4+s14], $0x30, s3, s14, $0xb8;
	[tilespmem:$0x19D00] =	vst v63  }
0x24: {  	_ = 	snop  }
0x25: {  	[tilespmem:s16], [sflag:$0x2] =	stream.indirect.gather [hbm4b:s4+s14], $0x30, s14, s14, $0xb8;
	[tilespmem:$0x19D00] =	vst v63  }
0x26: {  	_ = 	snop  }
0x27: {  	[tilespmem:s18], [sflag:$0x3] =	stream.indirect.gather [hbm4b:s4+s14], $0x30, s17, s14, $0xb8;
	[tilespmem:$0x19D00] =	vst v63  }
0x28: {  	_ = 	snop  }
0x29: {  	[tilespmem:s20], [sflag:$0x4] =	stream.indirect.gather [hbm4b:s4+s14], $0x30, s19, s14, $0xb8;
	[tilespmem:$0x19D00] =	vst v63  }
0x2a: {  	_ =	swait.ge [sflag:s21], $0x1800  }
0x2b: {  	[sflag:s21] =	ssyncset.done $0x0  }
0x2c: {  	s1 =	simm.s32 $0x2800;
	[sflag:s21] =	ssyncadd.s32 $0xFFFFE800  }
0x2d: {  	[spmem:s2] =	stream.indirect.scatter.add.f32 [tilespmem:s15], [sflag:$0x5], $0x30, s1, s14, $0xb8;
	[tilespmem:$0x19D00] =	vst v63  }
0x2e: {  	_ =	swait.ge [sflag:s11], $0x1800  }
0x2f: {  	[sflag:s11] =	ssyncset.done $0x0  }
0x30: {  	s0 =	simm.s32 $0x200;
	[sflag:s11] =	ssyncadd.s32 $0xFFFFE800  }
0x31: {  	[tilespmem:s15], [sflag:$0x1] =	stream.indirect.gather [hbm4b:s4+s14], $0x30, s0, s14, $0xb8;
	[tilespmem:$0x19D00] =	vst v63  }
0x32: {  	_ =	swait.ge [sflag:s22], $0x1800  }
0x33: {  	[sflag:s22] =	ssyncset.done $0x0  }
0x34: {  	s0 =	simm.s32 $0x2880;
	[sflag:s22] =	ssyncadd.s32 $0xFFFFE800  }
0x35: {  	[spmem:s2] =	stream.indirect.scatter.add.f32 [tilespmem:s16], [sflag:$0x5], $0x30, s0, s14, $0xb8;
	[tilespmem:$0x19D00] =	vst v63  }
0x36: {  	_ =	swait.ge [sflag:s11], $0x1800  }
0x37: {  	[sflag:s11] =	ssyncset.done $0x0  }
0x38: {  	s0 =	simm.s32 $0x280;
	[sflag:s11] =	ssyncadd.s32 $0xFFFFE800  }
0x39: {  	[tilespmem:s16], [sflag:$0x2] =	stream.indirect.gather [hbm4b:s4+s14], $0x30, s0, s14, $0xb8;
	[tilespmem:$0x19D00] =	vst v63  }
0x3a: {  	_ =	swait.ge [sflag:s23], $0x1800  }
0x3b: {  	[sflag:s23] =	ssyncset.done $0x0  }
0x3c: {  	s0 =	simm.s32 $0x2900;
	[sflag:s23] =	ssyncadd.s32 $0xFFFFE800  }
0x3d: {  	[spmem:s2] =	stream.indirect.scatter.add.f32 [tilespmem:s18], [sflag:$0x5], $0x30, s0, s14, $0xb8;
	[tilespmem:$0x19D00] =	vst v63  }
0x3e: {  	_ =	swait.ge [sflag:s11], $0x1800  }
0x3f: {  	[sflag:s11] =	ssyncset.done $0x0  }
0x40: {  	s0 =	simm.s32 $0x300;
	[sflag:s11] =	ssyncadd.s32 $0xFFFFE800  }
0x41: {  	[tilespmem:s18], [sflag:$0x3] =	stream.indirect.gather [hbm4b:s4+s14], $0x30, s0, s14, $0xb8;
	[tilespmem:$0x19D00] =	vst v63  }
0x42: {  	_ =	swait.ge [sflag:s24], $0x1800  }
0x43: {  	[sflag:s24] =	ssyncset.done $0x0  }
0x44: {  	s0 =	simm.s32 $0x2980;
	[sflag:s24] =	ssyncadd.s32 $0xFFFFE800  }
0x45: {  	[spmem:s2] =	stream.indirect.scatter.add.f32 [tilespmem:s20], [sflag:$0x5], $0x30, s0, s14, $0xb8;
	[tilespmem:$0x19D00] =	vst v63  }
0x46: {  	_ =	swait.ge [sflag:s11], $0x1800  }
0x47: {  	[sflag:s11] =	ssyncset.done $0x0  }
0x48: {  	s31 =	simm.s32 $0x800;
	s1 =	simm.s32 $0x380;
	[sflag:s11] =	ssyncadd.s32 $0xFFFFE800  }
.LBB2_2:
0x49: {  	[tilespmem:s20], [sflag:$0x4] =	stream.indirect.gather [hbm4b:s4+s14], $0x30, s1, s14, $0xb8;
	[tilespmem:$0x19D00] =	vst v63  }
0x4a: {  	s1 =	smov.u32 s31  }
0x4b: {  	p0 =	sne.s32 s31, $0x9000;
	s31 =	sadd.s32 $0x800, s31;
	_ =	swait.ge [sflag:s21], $0x1800  }
0x4c: {  	s1 =	sshra.s32 s1, $0x2;
	[sflag:s21] =	ssyncset.done $0x0  }
0x4d: {  	s0 =	sadd.s32 $0x2800, s1;
	[sflag:s21] =	ssyncadd.s32 $0xFFFFE800  }
0x4e: {  	[spmem:s2] =	stream.indirect.scatter.add.f32 [tilespmem:s15], [sflag:$0x5], $0x30, s0, s14, $0xb8;
	[tilespmem:$0x19D00] =	vst v63  }
0x4f: {  	_ =	swait.ge [sflag:s11], $0x1800  }
0x50: {  	[sflag:s11] =	ssyncset.done $0x0  }
0x51: {  	s0 =	sadd.s32 $0x200, s1;
	[sflag:s11] =	ssyncadd.s32 $0xFFFFE800  }
0x52: {  	[tilespmem:s15], [sflag:$0x1] =	stream.indirect.gather [hbm4b:s4+s14], $0x30, s0, s14, $0xb8;
	[tilespmem:$0x19D00] =	vst v63  }
0x53: {  	_ =	swait.ge [sflag:s22], $0x1800  }
0x54: {  	[sflag:s22] =	ssyncset.done $0x0  }
0x55: {  	s0 =	sadd.s32 $0x2880, s1;
	[sflag:s22] =	ssyncadd.s32 $0xFFFFE800  }
0x56: {  	[spmem:s2] =	stream.indirect.scatter.add.f32 [tilespmem:s16], [sflag:$0x5], $0x30, s0, s14, $0xb8;
	[tilespmem:$0x19D00] =	vst v63  }
0x57: {  	_ =	swait.ge [sflag:s11], $0x1800  }
0x58: {  	[sflag:s11] =	ssyncset.done $0x0  }
0x59: {  	s0 =	sadd.s32 $0x280, s1;
	[sflag:s11] =	ssyncadd.s32 $0xFFFFE800  }
0x5a: {  	[tilespmem:s16], [sflag:$0x2] =	stream.indirect.gather [hbm4b:s4+s14], $0x30, s0, s14, $0xb8;
	[tilespmem:$0x19D00] =	vst v63  }
0x5b: {  	_ =	swait.ge [sflag:s23], $0x1800  }
0x5c: {  	[sflag:s23] =	ssyncset.done $0x0  }
0x5d: {  	s0 =	sadd.s32 $0x2900, s1;
	[sflag:s23] =	ssyncadd.s32 $0xFFFFE800  }
0x5e: {  	[spmem:s2] =	stream.indirect.scatter.add.f32 [tilespmem:s18], [sflag:$0x5], $0x30, s0, s14, $0xb8;
	[tilespmem:$0x19D00] =	vst v63  }
0x5f: {  	_ =	swait.ge [sflag:s11], $0x1800  }
0x60: {  	[sflag:s11] =	ssyncset.done $0x0  }
0x61: {  	s0 =	sadd.s32 $0x300, s1;
	[sflag:s11] =	ssyncadd.s32 $0xFFFFE800  }
0x62: {  	[tilespmem:s18], [sflag:$0x3] =	stream.indirect.gather [hbm4b:s4+s14], $0x30, s0, s14, $0xb8;
	[tilespmem:$0x19D00] =	vst v63  }
0x63: {  	_ =	swait.ge [sflag:s24], $0x1800  }
0x64: {  	[sflag:s24] =	ssyncset.done $0x0  }
.Ltmp0:
0x65: {  	s0 =	sadd.s32 $0x2980, s1;
	[sflag:s24] =	ssyncadd.s32 $0xFFFFE800;
	(pc) =	sbr.rel @p0 .LBB2_2-.Ltmp0, $4  }
0x66: {  	[spmem:s2] =	stream.indirect.scatter.add.f32 [tilespmem:s20], [sflag:$0x5], $0x30, s0, s14, $0xb8;
	[tilespmem:$0x19D00] =	vst v63  }
0x67: {  	_ =	swait.ge [sflag:s11], $0x1800  }
0x68: {  	[sflag:s11] =	ssyncset.done $0x0  }
0x69: {  	s1 =	sadd.s32 $0x380, s1;
	[sflag:s11] =	ssyncadd.s32 $0xFFFFE800  }
0x6a: {  	[tilespmem:s20], [sflag:$0x4] =	stream.indirect.gather [hbm4b:s4+s14], $0x30, s1, s14, $0xb8;
	[tilespmem:$0x19D00] =	vst v63  }
0x6b: {  	_ =	swait.ge [sflag:s21], $0x1800  }
0x6c: {  	[sflag:s21] =	ssyncset.done $0x0  }
0x6d: {  	[sflag:s21] =	ssyncadd.s32 $0xFFFFE800  }
0x6e: {  	[spmem:s2] =	stream.indirect.scatter.add.f32 [tilespmem:s15], [sflag:$0x5], $0x30, s25, s14, $0xb8;
	[tilespmem:$0x19D00] =	vst v63  }
0x6f: {  	_ =	swait.ge [sflag:s11], $0x1800  }
0x70: {  	[sflag:s11] =	ssyncset.done $0x0  }
0x71: {  	[sflag:s11] =	ssyncadd.s32 $0xFFFFE800  }
0x72: {  	_ =	swait.ge [sflag:s22], $0x1800  }
0x73: {  	[sflag:s22] =	ssyncset.done $0x0  }
0x74: {  	[sflag:s22] =	ssyncadd.s32 $0xFFFFE800  }
0x75: {  	[spmem:s2] =	stream.indirect.scatter.add.f32 [tilespmem:s16], [sflag:$0x5], $0x30, s26, s14, $0xb8;
	[tilespmem:$0x19D00] =	vst v63  }
0x76: {  	_ =	swait.ge [sflag:s11], $0x1800  }
0x77: {  	[sflag:s11] =	ssyncset.done $0x0  }
0x78: {  	[sflag:s11] =	ssyncadd.s32 $0xFFFFE800  }
0x79: {  	_ =	swait.ge [sflag:s23], $0x1800  }
0x7a: {  	[sflag:s23] =	ssyncset.done $0x0  }
0x7b: {  	[sflag:s23] =	ssyncadd.s32 $0xFFFFE800  }
0x7c: {  	[spmem:s2] =	stream.indirect.scatter.add.f32 [tilespmem:s18], [sflag:$0x5], $0x30, s28, s14, $0xb8;
	[tilespmem:$0x19D00] =	vst v63  }
0x7d: {  	_ =	swait.ge [sflag:s11], $0x1800  }
0x7e: {  	[sflag:s11] =	ssyncset.done $0x0  }
0x7f: {  	[sflag:s11] =	ssyncadd.s32 $0xFFFFE800  }
0x80: {  	_ =	swait.ge [sflag:s24], $0x1800  }
0x81: {  	[sflag:s24] =	ssyncset.done $0x0  }
0x82: {  	[sflag:s24] =	ssyncadd.s32 $0xFFFFE800  }
0x83: {  	[spmem:s2] =	stream.indirect.scatter.add.f32 [tilespmem:s20], [sflag:$0x5], $0x30, s29, s14, $0xb8;
	[tilespmem:$0x19D00] =	vst v63  }
0x84: {  	_ =	swait.ge [sflag:s11], $0x1800  }
0x85: {  	[sflag:s11] =	ssyncset.done $0x0  }
0x86: {  	[sflag:s11] =	ssyncadd.s32 $0xFFFFE800  }
0x87: {  	[bflag:$0x0] =	sbarrier.arrive $0xFFFF  }
0x88: {  	[tilespmem:s13], [sflag:$0x5] =	stream.linear.gather [spmem:s8], $0x7680, $0x38;
	[tilespmem:$0x19D00] =	vst v63  }
0x89: {  	s30 =	sadd.s32 $0x1, s30;
	_ =	swait.ge [sflag:s11], $0x7680  }
0x8a: {  	p0 =	sne.s32 s30, s10;
	[sflag:s11] =	ssyncset.done $0x0  }
.Ltmp1:
0x8b: {  	[sflag:s11] =	ssyncadd.s32 $0xFFFF8980;
	(pc) =	sbr.rel @p0 .LBB2_1-.Ltmp1, $4  }
0x8c: {  	[hbm4b:s9+s3] =	stream.linear.scatter [tilespmem:s13], [sflag:$0x5], $0x7680, $0x38;
	[tilespmem:$0x19D00] =	vst v63  }
0x8d: {  	_ =	swait.ge [sflag:s11], $0x7680  }
0x8e: {  	[sflag:s11] =	ssyncset.done $0x0  }
0x8f: {  	[sflag:s11] =	ssyncadd.s32 $0xFFFF8980  }
0x90: {  	_ =	sfence.sel $0x180000  }
0x91: {  	[bflag:$0x0] =	sbarrier.arrive $0xFFFF  }
0x92: {  	_ =	strace $0x9000004D  }
0x93: {  	s0 =	stileid.u32;
	[bflag:$0x2] =	sbarrier.arrive $0xFFFF  }
0x94: {  	p0 =	sne.s32 s0, $0x0;
	s0 =	rddreg [dreg:$0x3]  }
0x95: {  	s0 =	sadd.s32 @!p0 $0x100000, s0  }
0x96: {  	[sflag:s0] =	ssyncadd.tile.s32 @!p0 $0x1;
	_ =	shalt  }
.Lfunc_end2:
_tile_overlayer_lowered:
.L_overlay_start_2:
0x97: {  	(tag) =	ssettag $0x2  }
0x98: {  	s0 =	rddreg [dreg:$0x0];
	s2 =	stileid.u32  }
0x99: {  	s1 =	rddreg [dreg:$0x1];
	p0 =	sne.s32 s2, $0x0  }
0x9a: {  	s3 =	rddreg [dreg:$0x2];
	[bflag:$0x3] =	sbarrier.arrive $0xFFFF;
	s2 =	simm.s32 @!p0 $0x1C05  }
0x9b: {  	[timem:s3], [sflag:s2] =	dma.local @!p0 [hbm:s0], s1  }
0x9c: {  	s0 =	simm.s32 @!p0 $0x5  }
0x9d: {  	_ =	swait.ge @!p0 [sflag:s0], s1  }
0x9e: {  	s1 =	ssub.s32 @!p0 $0x0, s1;
	[sflag:s0] =	ssyncset.done @!p0 $0x0  }
0x9f: {  	[sflag:s0] =	ssyncadd.s32 @!p0 s1  }
0xa0: {  	[bflag:$0x3] =	sbarrier.arrive $0xFFFF  }
0xa1: {  	_ =	shalt  }

// kernel: kernel.8.cloned.1.call-start
scs
__scs_entry_jumppad:
0x0: {  	(pc) =	sbr.rel $0x88, $3  }
0x1: {  	(tag) =	ssettag $0x0;
	lr =	simm.s32 $0x1  }
0x2: {  	[smem:$0x3F9B] =	sst lr;
	_ =	strace $0xD0000000  }
0x3: {  	_ = 	snop  }
0x4: {  	_ = 	snop  }
0x5: {  	_ = 	snop  }
0x6: {  	_ = 	snop  }
0x7: {  	_ = 	snop  }
__scs_overlays_trampoline_lowered:
0x8: {  	[smem:$0x3FAA] =	sst s0  }
0x9: {  	[smem:$0x3FAB] =	sst s1  }
0xa: {  	[smem:$0x3FAC] =	sst s2  }
0xb: {  	[smem:$0x3FAD] =	sst s3  }
0xc: {  	[smem:$0x3FAE] =	sst s4  }
0xd: {  	[smem:$0x3FAF] =	sst s5  }
0xe: {  	[smem:$0x3FB0] =	sst s6  }
0xf: {  	[smem:$0x3FB1] =	sst s7  }
0x10: {  	[smem:$0x3FB2] =	sst s8  }
0x11: {  	[smem:$0x3FB3] =	sst s9;
	s0 =	simm.s32 @!p0 $0x0  }
0x12: {  	s1 =	sld [smem:$0x3F99];
	s0 =	simm.s32 @p0 $0x1  }
0x13: {  	[smem:$0x3FB4] =	sst s0;
	s0 =	simm.s32 @!p1 $0x0  }
0x14: {  	s2 =	sld [smem:$0x3F98];
	s0 =	simm.s32 @p1 $0x1  }
0x15: {  	[smem:$0x3FB5] =	sst s0;
	s0 =	simm.s32 @!p2 $0x0  }
0x16: {  	s3 =	sld [smem:$0x3FDB];
	s0 =	simm.s32 @p2 $0x1  }
0x17: {  	s4 =	simm.s32 $0x1BF5;
	[smem:$0x3FB7] =	sst s0  }
0x18: {  	s0 =	sld [smem:$0x3F9A];
	_ =	swait.ge [sflag:s4], $0x0  }
0x19: {  	s7 =	sld [smem:$0x3F9B]  }
0x1a: {  	s8 =	sadd.s32 $0xFFFFE003, lr  }
0x1b: {  	s9 =	sadd.s32 $0xFFFFFEF7, lr;
	s5 =	simm.s32 $0xFFFFFFFF;
	p2 =	slt.u32 s8, $0xFFFFF086  }
0x1c: {  	p1 =	slt.u32 s9, $0xF7A;
	s5 =	simm.s32 @!p2 $0x0  }
0x1d: {  	s5 =	simm.s32 @p1 $0x1;
	p0 =	seq.s32 s7, s2  }
0x1e: {  	s7 =	smul.u32 @!p0 $0xF7A, s2;
	p2 =	seq.s32 @!p0 s5, $0x0  }
0x1f: {  	s9 =	smul.u32 $0xF7A, s1;
	s8 =	simm.s32 @!p0 $0x1BF5;
	p2 =	por !p2, p0  }
0x20: {  	[sflag:s8] =	ssyncset.s32 @!p0 $0xFFFFF086;
	s6 =	sadd.s32 @!p0 s3, s7;
	s7 =	simm.s32 @!p0 $0x108  }
0x21: {  	s3 =	sadd.s32 s3, s9;
	s6 =	sadd.s32 @!p0 $0x88, s6;
	s7 =	simm.s32 @p2 $0x1082  }
0x22: {  	[simem:s7], [sflag:s8] =	dma.local @!p0 [hbm:s6], $0xF7A  }
0x23: {  	s9 =	sor.u32 $0xD0000000, s2;
	s6 =	simm.s32 $0x108;
	_ =	swait.ge @!p0 [sflag:s8], $0x0  }
0x24: {  	s3 =	sadd.s32 $0x88, s3;
	s6 =	simm.s32 @!p1 $0x1082;
	[sflag:s4] =	ssyncset.s32 $0xFFFFF086  }
0x25: {  	[simem:s6], [sflag:s4] =	dma.local [hbm:s3], $0xF7A  }
0x26: {  	[smem:$0x3F9B] =	sst s1;
	(tag) =	ssettag s2;
	_ =	strace s9  }
0x27: {  	s1 =	sld [smem:$0x3FAB]  }
0x28: {  	s2 =	sld [smem:$0x3FAC]  }
0x29: {  	s4 =	sld [smem:$0x3FAE]  }
0x2a: {  	p0 =	seq.s32 s5, $0x0;
	s5 =	sld [smem:$0x3FAF]  }
0x2b: {  	s6 =	sld [smem:$0x3FB0]  }
0x2c: {  	s7 =	sld [smem:$0x3FB1]  }
0x2d: {  	s3 =	simm.s32 $0x108;
	s8 =	sld [smem:$0x3FB2]  }
0x2e: {  	s3 =	simm.s32 @!p0 $0x1082;
	s9 =	sld [smem:$0x3FB3]  }
0x2f: {  	lr =	sadd.s32 s0, s3;
	s0 =	sld [smem:$0x3FAA]  }
0x30: {  	s3 =	sld [smem:$0x3FAD]  }
0x31: {  	[smem:$0x3FB6] =	sst s10  }
0x32: {  	s10 =	sld [smem:$0x3FB4];
	_ =	sdelay $0x3  }
0x33: {  	p0 =	seq.s32 s10, $0x1;
	s10 =	sld [smem:$0x3FB6];
	_ =	sdelay $0x3  }
0x34: {  	[smem:$0x3FB6] =	sst s10  }
0x35: {  	s10 =	sld [smem:$0x3FB5];
	_ =	sdelay $0x3  }
0x36: {  	p1 =	seq.s32 s10, $0x1;
	s10 =	sld [smem:$0x3FB6];
	_ =	sdelay $0x3  }
0x37: {  	[smem:$0x3FB6] =	sst s10  }
0x38: {  	s10 =	sld [smem:$0x3FB7]  }
0x39: {  	_ = 	snop;
	(pc) =	sbr.ind lr, $3  }
0x3a: {  	_ = 	snop  }
0x3b: {  	_ = 	snop  }
0x3c: {  	p2 =	seq.s32 s10, $0x1;
	s10 =	sld [smem:$0x3FB6]  }
0x3d: {  	_ =	shalt  }
0x3e: {  	_ =	shalt  }
0x3f: {  	_ =	shalt  }
0x40: {  	_ =	shalt  }
0x41: {  	_ =	shalt  }
0x42: {  	_ =	shalt  }
0x43: {  	_ =	shalt  }
0x44: {  	_ =	shalt  }
0x45: {  	_ =	shalt  }
0x46: {  	_ =	shalt  }
0x47: {  	_ =	shalt  }
0x48: {  	_ =	shalt  }
0x49: {  	_ =	shalt  }
0x4a: {  	_ =	shalt  }
0x4b: {  	_ =	shalt  }
0x4c: {  	_ =	shalt  }
0x4d: {  	_ =	shalt  }
0x4e: {  	_ =	shalt  }
0x4f: {  	_ =	shalt  }
0x50: {  	_ =	shalt  }
0x51: {  	_ =	shalt  }
0x52: {  	_ =	shalt  }
0x53: {  	_ =	shalt  }
0x54: {  	_ =	shalt  }
0x55: {  	_ =	shalt  }
0x56: {  	_ =	shalt  }
0x57: {  	_ =	shalt  }
0x58: {  	_ =	shalt  }
0x59: {  	_ =	shalt  }
0x5a: {  	_ =	shalt  }
0x5b: {  	_ =	shalt  }
0x5c: {  	_ =	shalt  }
0x5d: {  	_ =	shalt  }
0x5e: {  	_ =	shalt  }
0x5f: {  	_ =	shalt  }
0x60: {  	_ =	shalt  }
0x61: {  	_ =	shalt  }
0x62: {  	_ =	shalt  }
0x63: {  	_ =	shalt  }
0x64: {  	_ =	shalt  }
0x65: {  	_ =	shalt  }
0x66: {  	_ =	shalt  }
0x67: {  	_ =	shalt  }
0x68: {  	_ =	shalt  }
0x69: {  	_ =	shalt  }
0x6a: {  	_ =	shalt  }
0x6b: {  	_ =	shalt  }
0x6c: {  	_ =	shalt  }
0x6d: {  	_ =	shalt  }
0x6e: {  	_ =	shalt  }
0x6f: {  	_ =	shalt  }
0x70: {  	_ =	shalt  }
0x71: {  	_ =	shalt  }
0x72: {  	_ =	shalt  }
0x73: {  	_ =	shalt  }
0x74: {  	_ =	shalt  }
0x75: {  	_ =	shalt  }
0x76: {  	_ =	shalt  }
0x77: {  	_ =	shalt  }
0x78: {  	_ =	shalt  }
0x79: {  	_ =	shalt  }
0x7a: {  	_ =	shalt  }
0x7b: {  	_ =	shalt  }
0x7c: {  	_ =	shalt  }
0x7d: {  	_ =	shalt  }
0x7e: {  	_ =	shalt  }
0x7f: {  	_ =	shalt  }
0x80: {  	_ =	shalt  }
0x81: {  	_ =	shalt  }
0x82: {  	_ =	shalt  }
0x83: {  	_ =	shalt  }
0x84: {  	_ =	shalt  }
0x85: {  	_ =	shalt  }
0x86: {  	_ =	shalt  }
0x87: {  	_ =	shalt  }
.Lfunc_end0:
.L_simem_size_0:
called_computation_lowered:
.L_overlay_start_0:
0x88: {  	s2 =	sld [smem:$0x3FD9]  }
0x89: {  	s3 =	sld [smem:$0x3FFE];
	_ =	sdelay $0x1  }
0x8a: {  	s1 =	srdreg.scid  }
0x8b: {  	s0 =	sand.u32 $0x1, s1  }
0x8c: {  	s16 =	sshll.u32 s0, $0xA;
	s2 =	sadd.s32 s3, s2  }
0x8d: {  	s2 =	sadd.s32 s2, s16  }
0x8e: {  	[smem:$0x3FC2] =	sst s2  }
0x8f: {  	_ = 	snop  }
0x90: {  	(tm) =	ssettm $0x1  }
0x91: {  	s17 =	sld [smem:$0x3FFB];
	_ =	sdelay $0x3  }
0x92: {  	_ =	strace s17  }
0x93: {  	s2 =	sld [smem:$0x3FFC];
	_ =	sdelay $0x3  }
0x94: {  	_ =	strace s2  }
0x95: {  	s2 =	sld [smem:$0x3FFD];
	_ =	sdelay $0x3  }
0x96: {  	_ =	strace s2  }
0x97: {  	_ =	strace $0x8FFFFFFF  }
0x98: {  	s18 =	sld [smem:$0x3FDB];
	_ =	sdelay $0x1  }
0x99: {  	s19 =	simm.s32 $_scs_section_size  }
0x9a: {  	s4 =	simm.s32 $_size__tile_overlayer_lowered;
	s5 =	simm.s32 $_tile_overlayer_lowered  }
0x9b: {  	s22 =	simm.s32 $0x1BFF;
	s21 =	sshll.u32 s5, $0x1;
	s2 =	sadd.s32 s19, s18  }
0x9c: {  	s6 =	simm.s32 $0x0;
	s20 =	sshll.u32 s4, $0x1;
	s4 =	sadd.s32 s21, s2  }
0x9d: {  	[timem:s6], [sflag:s22] =	dma.local [hbm:s4], s20  }
0x9e: {  	_ =	swait.ge [sflag:s22], s20  }
0x9f: {  	s3 =	ssub.s32 $0x0, s20;
	[sflag:s22] =	ssyncset.done $0x0  }
0xa0: {  	[sflag:s22] =	ssyncadd.s32 s3;
	_ =	sdelay $0x1  }
0xa1: {  	s23 =	simm.s32 $0x1B8B  }
0xa2: {  	_ =	swait.ge [sflag:s23], $0x1  }
0xa3: {  	[sflag:s23] =	ssyncset.done $0x0  }
0xa4: {  	s25 =	simm.s32 $0x1B8E;
	s24 =	sld [smem:$0x3FFE];
	[sflag:s23] =	ssyncadd.s32 $0xFFFFFFFF  }
0xa5: {  	s26 =	simm.s32 $execute0_lowered;
	[smem:$0x3FD2] =	sst s25  }
0xa6: {  	s4 =	sshll.u32 s26, $0x1;
	_ =	strace $0x80000046;
	[dreg:$0x1] =	wrdreg $0xFFFFFFFF  }
0xa7: {  	s28 =	simm.s32 $_size_execute0_lowered;
	s2 =	sadd.s32 s2, s4;
	[dreg:$0x0] =	wrdreg $0x0  }
0xa8: {  	s4 =	sshll.u32 s28, $0x1;
	[dreg:$0x2] =	wrdreg s2  }
0xa9: {  	[dreg:$0x3] =	wrdreg s4  }
0xaa: {  	[dreg:$0x4] =	wrdreg $0xC0  }
0xab: {  	_ =	task [dreg:s6], $0x5FFFF  }
0xac: {  	[dreg:$0x1] =	wrdreg $0xFFFFFFFF  }
0xad: {  	[dreg:$0x0] =	wrdreg $0x60  }
0xae: {  	[dreg:$0x2] =	wrdreg s24  }
0xaf: {  	[dreg:$0x3] =	wrdreg $0x2AF80  }
0xb0: {  	[dreg:$0x4] =	wrdreg $0x9  }
0xb1: {  	_ =	task.clear_ibuf [dreg:s6], $0x5FFFF;
	_ =	strace $0x90000046  }
0xb2: {  	s29 =	simm.s32 $0x9;
	_ =	strace $0x80000048  }
0xb3: {  	_ =	swait.ge [sflag:s29], $0x1  }
0xb4: {  	[sflag:s29] =	ssyncadd.s32 $0xFFFFFFFF  }
0xb5: {  	_ =	strace $0x90000048  }
0xb6: {  	_ =	sfence  }
0xb7: {  	s30 =	sld [smem:$0x0];
	_ =	sdelay $0x2  }
0xb8: {  	s31 =	sshll.u32 s1, $0xD;
	s1 =	sshrl.u32 s1, $0x2  }
0xb9: {  	s3 =	sand.u32 $0x4000, s31;
	s1 =	sadd.s32 s1, s30  }
0xba: {  	s0 =	sor.u32 s3, s0;
	s1 =	sshll.u32 s1, $0x11  }
0xbb: {  	s0 =	sor.u32 s1, s0  }
0xbc: {  	s0 =	sadd.s32 $0x8F2B, s0  }
0xbd: {  	[sflag:s0] =	ssyncadd.remote.s32 $0x1  }
0xbe: {  	_ =	sfence.sel $0xFFFF  }
0xbf: {  	[dreg:$0x0] =	wrdreg $0xFFFFFFFF;
	(pc) =	sbr.abs _section_cstart, $3  }
0xc0: {  	[dreg:$0x1] =	wrdreg $0xFFFFFFFF  }
0xc1: {  	_ =	task.clear_ibuf [dreg:s6], $0x2FFFF;
	_ =	strace $0x9FFFFFFF  }
0xc2: {  	(tm) =	ssettm $0x7FFFFFFF  }
0xc3: {  	_ =	shalt  }
tec
execute0_lowered:
.L_overlay_start_1:
0x0: {  	(tag) =	ssettag $0x1  }
0x1: {  	s0 =	srdreg.scid;
	s5 =	rddreg [dreg:$0x0]  }
0x2: {  	s2 =	rddreg [dreg:$0x1];
	s3 =	simm.s32 $0x0;
	s11 =	simm.s32 $0x2  }
0x3: {  	s12 =	simm.s32 $0x2880;
	s13 =	simm.s32 $0x80;
	s14 =	simm.s32 $0x1  }
0x4: {  	s15 =	simm.s32 $0x0;
	s4 =	sand.u32 $0x1, s0;
	s0 =	stileid.u32  }
0x5: {  	[smem:$0x7FF] =	sst s3;
	s1 =	sshll.u32 s4, $0x4;
	s7 =	smul.u32 $0x278, s0  }
0x6: {  	s8 =	smul.u32 $0x2780, s4;
	s10 =	ssub.s32 $0x2, s4;
	s1 =	sor.u32 s0, s1  }
0x7: {  	s4 =	sadd.s32 $0xB400, s5;
	s31 =	sshrl.u32 s10, $0x1;
	s6 =	smul.u32 $0x500, s1  }
0x8: {  	s1 =	rddreg [dreg:$0x2];
	_ =	strace $0x80000047;
	s9 =	sshrl.u32 s7, $0x3  }
0x9: {  	s8 =	sadd.s32 s7, s8;
	s10 =	ssub.s32 s10, s31;
	s7 =	sadd.s32 s7, s2  }
0xa: {  	s9 =	sadd.s32 s9, s5;
	s8 =	sshrl.u32 s8, $0x3;
	s6 =	sadd.s32 s6, s5  }
0xb: {  	s8 =	sadd.s32 s8, s5;
	s5 =	sadd.s32 $0xE00, s6;
	s6 =	sadd.s32 $0xAE00, s9  }
0xc: {  	s8 =	sadd.s32 $0xB600, s8;
	s9 =	smax.u32 s10, $0x1;
	s10 =	simm.s32 $0x2800  }
.LBB2_1:
0xd: {  	[tilespmem:s10], [sflag:$0x2] =	stream.linear.gather [hbm4b:s4+s3], $0x80, $0x38;
	[tilespmem:$0x2D70] =	vst v63  }
0xe: {  	_ =	swait.ge [sflag:s11], $0x80  }
0xf: {  	[sflag:s11] =	ssyncset.done $0x0  }
0x10: {  	[sflag:s11] =	ssyncadd.s32 $0xFFFFFF80  }
0x11: {  	[tilespmem:s3], [sflag:$0x2] =	stream.linear.gather [hbm4b:s5+s3], $0x2800, $0x38;
	[tilespmem:$0x2D70] =	vst v63  }
0x12: {  	_ =	swait.ge [sflag:s11], $0x2800  }
0x13: {  	[sflag:s11] =	ssyncset.done $0x0  }
0x14: {  	[sflag:s11] =	ssyncadd.s32 $0xFFFFD800  }
0x15: {  	[tilespmem:s12], [sflag:$0x2] =	stream.linear.gather [hbm4b:s6+s3], $0x278, $0x38;
	[tilespmem:$0x2D70] =	vst v63  }
0x16: {  	_ =	swait.ge [sflag:s11], $0x278  }
0x17: {  	[sflag:s11] =	ssyncset.done $0x0  }
0x18: {  	[sflag:s11] =	ssyncadd.s32 $0xFFFFFD88  }
0x19: {  	[spmem:s7] =	stream.linear.scatter [tilespmem:s12], [sflag:$0x2], $0x278, $0x38;
	[tilespmem:$0x2D70] =	vst v63  }
0x1a: {  	_ =	swait.ge [sflag:s11], $0x278  }
0x1b: {  	[sflag:s11] =	ssyncset.done $0x0  }
0x1c: {  	[sflag:s11] =	ssyncadd.s32 $0xFFFFFD88  }
0x1d: {  	s16 =	simm.s32 $0x0;
	[bflag:$0x0] =	sbarrier.arrive $0xFFFF  }
0x1e: {  	[spmem:s2] =	stream.indirect.scatter.add.f32 [tilespmem:s10], [sflag:$0x1], $0x1, s16, s13, $0xb8;
	[tilespmem:$0x2D70] =	vst v63  }
0x1f: {  	s24 =	simm.s32 $0x80  }
0x20: {  	[spmem:s2] =	stream.indirect.scatter.add.f32 [tilespmem:s10], [sflag:$0x1], $0x1, s24, s13, $0xb8;
	[tilespmem:$0x2D70] =	vst v63  }
0x21: {  	s25 =	simm.s32 $0x100  }
0x22: {  	[spmem:s2] =	stream.indirect.scatter.add.f32 [tilespmem:s10], [sflag:$0x1], $0x1, s25, s13, $0xb8;
	[tilespmem:$0x2D70] =	vst v63  }
0x23: {  	s26 =	simm.s32 $0x180  }
0x24: {  	[spmem:s2] =	stream.indirect.scatter.add.f32 [tilespmem:s10], [sflag:$0x1], $0x1, s26, s13, $0xb8;
	[tilespmem:$0x2D70] =	vst v63  }
0x25: {  	s28 =	simm.s32 $0x200  }
0x26: {  	[spmem:s2] =	stream.indirect.scatter.add.f32 [tilespmem:s10], [sflag:$0x1], $0x1, s28, s13, $0xb8;
	[tilespmem:$0x2D70] =	vst v63  }
0x27: {  	s29 =	simm.s32 $0x280  }
0x28: {  	[spmem:s2] =	stream.indirect.scatter.add.f32 [tilespmem:s10], [sflag:$0x1], $0x1, s29, s13, $0xb8;
	[tilespmem:$0x2D70] =	vst v63  }
0x29: {  	s30 =	simm.s32 $0x300  }
0x2a: {  	[spmem:s2] =	stream.indirect.scatter.add.f32 [tilespmem:s10], [sflag:$0x1], $0x1, s30, s13, $0xb8;
	[tilespmem:$0x2D70] =	vst v63  }
0x2b: {  	s31 =	simm.s32 $0x380  }
0x2c: {  	[spmem:s2] =	stream.indirect.scatter.add.f32 [tilespmem:s10], [sflag:$0x1], $0x1, s31, s13, $0xb8;
	[tilespmem:$0x2D70] =	vst v63  }
0x2d: {  	_ =	swait.ge [sflag:s14], $0x80  }
0x2e: {  	[sflag:s14] =	ssyncset.done $0x0  }
0x2f: {  	[sflag:s14] =	ssyncadd.s32 $0xFFFFFF80  }
0x30: {  	_ =	swait.ge [sflag:s14], $0x80  }
0x31: {  	[sflag:s14] =	ssyncset.done $0x0  }
0x32: {  	[sflag:s14] =	ssyncadd.s32 $0xFFFFFF80  }
0x33: {  	_ =	swait.ge [sflag:s14], $0x80  }
0x34: {  	[sflag:s14] =	ssyncset.done $0x0  }
0x35: {  	[sflag:s14] =	ssyncadd.s32 $0xFFFFFF80  }
0x36: {  	_ =	swait.ge [sflag:s14], $0x80  }
0x37: {  	[sflag:s14] =	ssyncset.done $0x0  }
0x38: {  	[sflag:s14] =	ssyncadd.s32 $0xFFFFFF80  }
0x39: {  	_ =	swait.ge [sflag:s14], $0x80  }
0x3a: {  	[sflag:s14] =	ssyncset.done $0x0  }
0x3b: {  	[sflag:s14] =	ssyncadd.s32 $0xFFFFFF80  }
0x3c: {  	_ =	swait.ge [sflag:s14], $0x80  }
0x3d: {  	[sflag:s14] =	ssyncset.done $0x0  }
0x3e: {  	[sflag:s14] =	ssyncadd.s32 $0xFFFFFF80  }
0x3f: {  	_ =	swait.ge [sflag:s14], $0x80  }
0x40: {  	[sflag:s14] =	ssyncset.done $0x0  }
0x41: {  	[sflag:s14] =	ssyncadd.s32 $0xFFFFFF80  }
0x42: {  	_ =	swait.ge [sflag:s14], $0x80  }
0x43: {  	s18 =	simm.s32 $0x2000;
	s16 =	simm.s32 $0x1000;
	[sflag:s14] =	ssyncset.done $0x0  }
.LBB2_2:
0x44: {  	s19 =	sshra.s32 s16, $0x2  }
0x45: {  	[sflag:s14] =	ssyncadd.s32 $0xFFFFFF80;
	s16 =	smov.u32 s18;
	s17 =	sadd.s32 $0x1000, s18  }
0x46: {  	[spmem:s2] =	stream.indirect.scatter.add.f32 [tilespmem:s10], [sflag:$0x1], $0x1, s19, s13, $0xb8;
	[tilespmem:$0x2D70] =	vst v63  }
0x47: {  	p0 =	sne.s32 s18, $0x9000;
	s18 =	sadd.s32 $0x80, s19  }
0x48: {  	[spmem:s2] =	stream.indirect.scatter.add.f32 [tilespmem:s10], [sflag:$0x1], $0x1, s18, s13, $0xb8;
	[tilespmem:$0x2D70] =	vst v63  }
0x49: {  	s18 =	sadd.s32 $0x100, s19  }
0x4a: {  	[spmem:s2] =	stream.indirect.scatter.add.f32 [tilespmem:s10], [sflag:$0x1], $0x1, s18, s13, $0xb8;
	[tilespmem:$0x2D70] =	vst v63  }
0x4b: {  	s18 =	sadd.s32 $0x180, s19  }
0x4c: {  	[spmem:s2] =	stream.indirect.scatter.add.f32 [tilespmem:s10], [sflag:$0x1], $0x1, s18, s13, $0xb8;
	[tilespmem:$0x2D70] =	vst v63  }
0x4d: {  	s18 =	sadd.s32 $0x200, s19  }
0x4e: {  	[spmem:s2] =	stream.indirect.scatter.add.f32 [tilespmem:s10], [sflag:$0x1], $0x1, s18, s13, $0xb8;
	[tilespmem:$0x2D70] =	vst v63  }
0x4f: {  	s18 =	sadd.s32 $0x280, s19  }
0x50: {  	[spmem:s2] =	stream.indirect.scatter.add.f32 [tilespmem:s10], [sflag:$0x1], $0x1, s18, s13, $0xb8;
	[tilespmem:$0x2D70] =	vst v63  }
0x51: {  	s18 =	sadd.s32 $0x300, s19  }
0x52: {  	[spmem:s2] =	stream.indirect.scatter.add.f32 [tilespmem:s10], [sflag:$0x1], $0x1, s18, s13, $0xb8;
	[tilespmem:$0x2D70] =	vst v63  }
0x53: {  	s18 =	sadd.s32 $0x380, s19  }
0x54: {  	[spmem:s2] =	stream.indirect.scatter.add.f32 [tilespmem:s10], [sflag:$0x1], $0x1, s18, s13, $0xb8;
	[tilespmem:$0x2D70] =	vst v63  }
0x55: {  	_ =	swait.ge [sflag:s14], $0x80  }
0x56: {  	[sflag:s14] =	ssyncset.done $0x0  }
0x57: {  	[sflag:s14] =	ssyncadd.s32 $0xFFFFFF80  }
0x58: {  	_ =	swait.ge [sflag:s14], $0x80  }
0x59: {  	[sflag:s14] =	ssyncset.done $0x0  }
0x5a: {  	[sflag:s14] =	ssyncadd.s32 $0xFFFFFF80  }
0x5b: {  	_ =	swait.ge [sflag:s14], $0x80  }
0x5c: {  	[sflag:s14] =	ssyncset.done $0x0  }
0x5d: {  	[sflag:s14] =	ssyncadd.s32 $0xFFFFFF80  }
0x5e: {  	_ =	swait.ge [sflag:s14], $0x80  }
0x5f: {  	[sflag:s14] =	ssyncset.done $0x0  }
0x60: {  	[sflag:s14] =	ssyncadd.s32 $0xFFFFFF80  }
0x61: {  	_ =	swait.ge [sflag:s14], $0x80  }
0x62: {  	[sflag:s14] =	ssyncset.done $0x0  }
0x63: {  	[sflag:s14] =	ssyncadd.s32 $0xFFFFFF80  }
0x64: {  	_ =	swait.ge [sflag:s14], $0x80  }
0x65: {  	[sflag:s14] =	ssyncset.done $0x0  }
0x66: {  	[sflag:s14] =	ssyncadd.s32 $0xFFFFFF80  }
.Ltmp0:
0x67: {  	_ =	swait.ge [sflag:s14], $0x80;
	(pc) =	sbr.rel @p0 .LBB2_2-.Ltmp0, $4  }
0x68: {  	[sflag:s14] =	ssyncset.done $0x0  }
0x69: {  	[sflag:s14] =	ssyncadd.s32 $0xFFFFFF80  }
0x6a: {  	_ =	swait.ge [sflag:s14], $0x80  }
0x6b: {  	s18 =	smov.u32 s17;
	[sflag:s14] =	ssyncset.done $0x0  }
0x6c: {  	s16 =	sshra.s32 s16, $0x2;
	[sflag:s14] =	ssyncadd.s32 $0xFFFFFF80  }
0x6d: {  	[spmem:s2] =	stream.indirect.scatter.add.f32 [tilespmem:s10], [sflag:$0x1], $0x1, s16, s13, $0xb8;
	[tilespmem:$0x2D70] =	vst v63  }
0x6e: {  	s17 =	sadd.s32 $0x80, s16  }
0x6f: {  	[spmem:s2] =	stream.indirect.scatter.add.f32 [tilespmem:s10], [sflag:$0x1], $0x1, s17, s13, $0xb8;
	[tilespmem:$0x2D70] =	vst v63  }
0x70: {  	s26 =	sadd.s32 $0x100, s16  }
0x71: {  	[spmem:s2] =	stream.indirect.scatter.add.f32 [tilespmem:s10], [sflag:$0x1], $0x1, s26, s13, $0xb8;
	[tilespmem:$0x2D70] =	vst v63  }
0x72: {  	s28 =	sadd.s32 $0x180, s16  }
0x73: {  	[spmem:s2] =	stream.indirect.scatter.add.f32 [tilespmem:s10], [sflag:$0x1], $0x1, s28, s13, $0xb8;
	[tilespmem:$0x2D70] =	vst v63  }
0x74: {  	s29 =	sadd.s32 $0x200, s16  }
0x75: {  	[spmem:s2] =	stream.indirect.scatter.add.f32 [tilespmem:s10], [sflag:$0x1], $0x1, s29, s13, $0xb8;
	[tilespmem:$0x2D70] =	vst v63  }
0x76: {  	s30 =	sadd.s32 $0x280, s16  }
0x77: {  	[spmem:s2] =	stream.indirect.scatter.add.f32 [tilespmem:s10], [sflag:$0x1], $0x1, s30, s13, $0xb8;
	[tilespmem:$0x2D70] =	vst v63  }
0x78: {  	s31 =	sadd.s32 $0x300, s16  }
0x79: {  	[spmem:s2] =	stream.indirect.scatter.add.f32 [tilespmem:s10], [sflag:$0x1], $0x1, s31, s13, $0xb8;
	[tilespmem:$0x2D70] =	vst v63  }
0x7a: {  	s16 =	sadd.s32 $0x380, s16  }
0x7b: {  	[spmem:s2] =	stream.indirect.scatter.add.f32 [tilespmem:s10], [sflag:$0x1], $0x1, s16, s13, $0xb8;
	[tilespmem:$0x2D70] =	vst v63  }
0x7c: {  	_ =	swait.ge [sflag:s14], $0x80  }
0x7d: {  	[sflag:s14] =	ssyncset.done $0x0  }
0x7e: {  	[sflag:s14] =	ssyncadd.s32 $0xFFFFFF80  }
0x7f: {  	_ =	swait.ge [sflag:s14], $0x80  }
0x80: {  	[sflag:s14] =	ssyncset.done $0x0  }
0x81: {  	[sflag:s14] =	ssyncadd.s32 $0xFFFFFF80  }
0x82: {  	_ =	swait.ge [sflag:s14], $0x80  }
0x83: {  	[sflag:s14] =	ssyncset.done $0x0  }
0x84: {  	[sflag:s14] =	ssyncadd.s32 $0xFFFFFF80  }
0x85: {  	_ =	swait.ge [sflag:s14], $0x80  }
0x86: {  	[sflag:s14] =	ssyncset.done $0x0  }
0x87: {  	[sflag:s14] =	ssyncadd.s32 $0xFFFFFF80  }
0x88: {  	_ =	swait.ge [sflag:s14], $0x80  }
0x89: {  	[sflag:s14] =	ssyncset.done $0x0  }
0x8a: {  	[sflag:s14] =	ssyncadd.s32 $0xFFFFFF80  }
0x8b: {  	_ =	swait.ge [sflag:s14], $0x80  }
0x8c: {  	[sflag:s14] =	ssyncset.done $0x0  }
0x8d: {  	[sflag:s14] =	ssyncadd.s32 $0xFFFFFF80  }
0x8e: {  	_ =	swait.ge [sflag:s14], $0x80  }
0x8f: {  	[sflag:s14] =	ssyncset.done $0x0  }
0x90: {  	[sflag:s14] =	ssyncadd.s32 $0xFFFFFF80  }
0x91: {  	_ =	swait.ge [sflag:s14], $0x80  }
0x92: {  	[sflag:s14] =	ssyncset.done $0x0  }
0x93: {  	[sflag:s14] =	ssyncadd.s32 $0xFFFFFF80  }
0x94: {  	[bflag:$0x0] =	sbarrier.arrive $0xFFFF  }
0x95: {  	[tilespmem:s12], [sflag:$0x2] =	stream.linear.gather [spmem:s7], $0x278, $0x38;
	[tilespmem:$0x2D70] =	vst v63  }
0x96: {  	s15 =	sadd.s32 $0x1, s15;
	_ =	swait.ge [sflag:s11], $0x278  }
0x97: {  	p0 =	sne.s32 s15, s9;
	[sflag:s11] =	ssyncset.done $0x0  }
.Ltmp1:
0x98: {  	[sflag:s11] =	ssyncadd.s32 $0xFFFFFD88;
	(pc) =	sbr.rel @p0 .LBB2_1-.Ltmp1, $4  }
0x99: {  	[hbm4b:s8+s3] =	stream.linear.scatter [tilespmem:s12], [sflag:$0x2], $0x278, $0x38;
	[tilespmem:$0x2D70] =	vst v63  }
0x9a: {  	_ =	swait.ge [sflag:s11], $0x278  }
0x9b: {  	[sflag:s11] =	ssyncset.done $0x0  }
0x9c: {  	[sflag:s11] =	ssyncadd.s32 $0xFFFFFD88  }
0x9d: {  	_ =	sfence.sel $0x180000  }
0x9e: {  	[bflag:$0x0] =	sbarrier.arrive $0xFFFF  }
0x9f: {  	p0 =	sne.s32 s0, $0x0;
	_ =	strace $0x90000047  }
0xa0: {  	s0 =	sadd.s32 @!p0 $0x100000, s1;
	[bflag:$0x2] =	sbarrier.arrive $0xFFFF  }
0xa1: {  	[sflag:s0] =	ssyncadd.tile.s32 @!p0 $0x1;
	_ =	shalt  }
.Lfunc_end2:
_tile_overlayer_lowered:
.L_overlay_start_2:
0xa2: {  	(tag) =	ssettag $0x2  }
0xa3: {  	s0 =	rddreg [dreg:$0x0];
	s2 =	stileid.u32  }
0xa4: {  	s1 =	rddreg [dreg:$0x1];
	p0 =	sne.s32 s2, $0x0  }
0xa5: {  	s3 =	rddreg [dreg:$0x2];
	[bflag:$0x3] =	sbarrier.arrive $0xFFFF;
	s2 =	simm.s32 @!p0 $0x1C02  }
0xa6: {  	[timem:s3], [sflag:s2] =	dma.local @!p0 [hbm:s0], s1  }
0xa7: {  	s0 =	simm.s32 @!p0 $0x2  }
0xa8: {  	_ =	swait.ge @!p0 [sflag:s0], s1  }
0xa9: {  	s1 =	ssub.s32 @!p0 $0x0, s1;
	[sflag:s0] =	ssyncset.done @!p0 $0x0  }
0xaa: {  	[sflag:s0] =	ssyncadd.s32 @!p0 s1  }
0xab: {  	[bflag:$0x3] =	sbarrier.arrive $0xFFFF  }
0xac: {  	_ =	shalt  }

</sc_bundles>
